<compile_context>
chip_gen: v7x
topology: tpu7x:2x2x1
jax: 0.10.2.dev20260603
libtpu: 0.0.44.dev20260713+nightly
codegen_flags: <defaults>
</compile_context>

<pallas_src>
import functools

import jax
import jax.numpy as jnp
from jax import lax
from jax.experimental import pallas as pl
from jax.experimental.pallas import tpu as pltpu
from jax.experimental.pallas import tpu_sc as plsc

VOCAB = 100000
EMBED_DIM = 64
BATCH = 4096
HIST = 200

NC = 2
NS = 16
NW = NC * NS

TOTAL = BATCH * HIST
PER_W = TOTAL // NW
CHUNK = 128
NCHUNK = PER_W // CHUNK
NBUF = 8
K = 4

assert PER_W % CHUNK == 0 and NCHUNK % NBUF == 0 and 0 < K < NBUF

_mesh = plsc.VectorSubcoreMesh(
    core_axis_name="c", subcore_axis_name="s", num_cores=NC, num_subcores=NS
)


@functools.partial(
    pl.kernel,
    out_type=jax.ShapeDtypeStruct((TOTAL, EMBED_DIM), jnp.float32),
    mesh=_mesh,
    scratch_types=[
        pltpu.VMEM((PER_W,), jnp.int32),
        [pltpu.VMEM((CHUNK, EMBED_DIM), jnp.float32)] * NBUF,
        [pltpu.SemaphoreType.DMA] * NBUF,
        [pltpu.SemaphoreType.DMA] * NBUF,
    ],
    compiler_params=pltpu.CompilerParams(use_tc_tiling_on_sc=False),
)
def _gather_kernel(idx_hbm, table_hbm, out_hbm, idx_v, rows, gsem, ssem):
    wid = lax.axis_index("s") * NC + lax.axis_index("c")
    wbase = wid * PER_W

    def start_gather(g, b):
        pltpu.async_copy(
            table_hbm.at[idx_v.at[pl.ds(g * CHUNK, CHUNK)]], rows[b], gsem[b])

    def wait_gather(b):
        pltpu.make_async_copy(
            table_hbm.at[idx_v.at[pl.ds(0, CHUNK)]], rows[b], gsem[b]).wait()

    def start_scatter(g, b):
        pltpu.async_copy(
            rows[b], out_hbm.at[pl.ds(wbase + g * CHUNK, CHUNK)], ssem[b])

    def wait_scatter(b):
        pltpu.make_async_copy(
            rows[b], out_hbm.at[pl.ds(wbase, CHUNK)], ssem[b]).wait()

    pltpu.sync_copy(idx_hbm.at[pl.ds(wbase, PER_W)], idx_v)

    for j in range(K):
        start_gather(j, j % NBUF)

    for g in range(NBUF - K):
        b = g % NBUF
        wait_gather(b)
        start_scatter(g, b)
        start_gather(g + K, (g + K) % NBUF)

    def step(h, carry):
        for t in range(NBUF):
            g = (NBUF - K) + h * NBUF + t
            b = (NBUF - K + t) % NBUF
            bj = (b + K) % NBUF
            wait_gather(b)
            start_scatter(g, b)
            wait_scatter(bj)
            start_gather(g + K, bj)
        return carry

    lax.fori_loop(0, (NCHUNK - NBUF) // NBUF, step, 0)

    for g in range(NCHUNK - K, NCHUNK):
        b = g % NBUF
        wait_gather(b)
        start_scatter(g, b)
    for b in range(NBUF):
        wait_scatter(b)


def kernel(words, W):
    idx = words.reshape(TOTAL).astype(jnp.int32)
    out = _gather_kernel(idx, W)
    return out.reshape(BATCH, HIST, EMBED_DIM)

# --- scband reference (transcript-rebuilt; emitter-appended) ---
"""Pipeline reference for scband-embedding-dropout-56478819942561 (READ-ONLY COPY).

The authoritative reference and input builder live on the scoring server;
editing this copy changes nothing except your own understanding.
"""

import jax, jax.numpy as jnp
import numpy as np

VOCAB = 100000
EMBED_DIM = 64
BATCH = 4096
HIST = 200

def setup_inputs(seed: int = 0) -> dict:
    key = jax.random.key(seed)
    k_idx, k_w = jax.random.split(key)
    # indices kept strictly below VOCAB-1 so padding_idx=-1 (last row) is never hit,
    # making torch/jax gradients identical too
    words = jax.random.randint(k_idx, (BATCH, HIST), 0, 99999).astype(jnp.int64)
    W = jax.random.normal(k_w, (VOCAB, EMBED_DIM), dtype=jnp.float32) * 0.02
    return {"words": words, "W": W}

def reference(words, W):
    # EmbeddingDropout with embed_p=0.0 (or eval mode): mask_embed == emb.weight,
    # scale=None, so forward is a plain embedding gather.
    # F.embedding(words, W, padding_idx=-1) does not alter the forward output.
    return jnp.take(W, words, axis=0)

if __name__ == "__main__":
    import jax
    _d = setup_inputs()
    print(jax.jit(kernel)(*tuple(_d.values())))

</pallas_src>

<mosaic_0001>
#map = affine_map<(d0, d1) -> (0)>
#map1 = affine_map<(d0, d1) -> (0, 0)>
module attributes {stable_mosaic.version = 14 : i64} {
  func.func @_gather_kernel(%arg0: i32, %arg1: i32, %arg2: memref<819200xi32, #tpu.memory_space<hbm>>, %arg3: memref<100000x64xf32, #tpu.memory_space<hbm>>, %arg4: memref<819200x64xf32, #tpu.memory_space<hbm>>, %arg5: memref<25600xi32, #tpu.memory_space<vmem>>, %arg6: memref<128x64xf32, #tpu.memory_space<vmem>>, %arg7: memref<128x64xf32, #tpu.memory_space<vmem>>, %arg8: memref<128x64xf32, #tpu.memory_space<vmem>>, %arg9: memref<128x64xf32, #tpu.memory_space<vmem>>, %arg10: memref<128x64xf32, #tpu.memory_space<vmem>>, %arg11: memref<128x64xf32, #tpu.memory_space<vmem>>, %arg12: memref<128x64xf32, #tpu.memory_space<vmem>>, %arg13: memref<128x64xf32, #tpu.memory_space<vmem>>, %arg14: memref<!tpu.dma_semaphore, #tpu.memory_space<semaphore_mem>>, %arg15: memref<!tpu.dma_semaphore, #tpu.memory_space<semaphore_mem>>, %arg16: memref<!tpu.dma_semaphore, #tpu.memory_space<semaphore_mem>>, %arg17: memref<!tpu.dma_semaphore, #tpu.memory_space<semaphore_mem>>, %arg18: memref<!tpu.dma_semaphore, #tpu.memory_space<semaphore_mem>>, %arg19: memref<!tpu.dma_semaphore, #tpu.memory_space<semaphore_mem>>, %arg20: memref<!tpu.dma_semaphore, #tpu.memory_space<semaphore_mem>>, %arg21: memref<!tpu.dma_semaphore, #tpu.memory_space<semaphore_mem>>, %arg22: memref<!tpu.dma_semaphore, #tpu.memory_space<semaphore_mem>>, %arg23: memref<!tpu.dma_semaphore, #tpu.memory_space<semaphore_mem>>, %arg24: memref<!tpu.dma_semaphore, #tpu.memory_space<semaphore_mem>>, %arg25: memref<!tpu.dma_semaphore, #tpu.memory_space<semaphore_mem>>, %arg26: memref<!tpu.dma_semaphore, #tpu.memory_space<semaphore_mem>>, %arg27: memref<!tpu.dma_semaphore, #tpu.memory_space<semaphore_mem>>, %arg28: memref<!tpu.dma_semaphore, #tpu.memory_space<semaphore_mem>>, %arg29: memref<!tpu.dma_semaphore, #tpu.memory_space<semaphore_mem>>) attributes {dimension_semantics = [#tpu.dimension_semantics<core_parallel>, #tpu.dimension_semantics<subcore_parallel>], iteration_bounds = array<i64: 2, 16>, scalar_prefetch = 0 : i64, scratch_operands = 25 : i64, tpu.core_type = #tpu.core_type<sc_vector_subcore>, window_params = [{transform_indices = #map}, {transform_indices = #map1}, {transform_indices = #map1}]} {
    %mul3A = arith.constant 2 : i32
    %mul3A_0 = arith.muli %arg1, %mul3A : i32
    %add3A = arith.addi %mul3A_0, %arg0 : i32
    %mul3A_1 = arith.constant 25600 : i32
    %mul3A_2 = arith.muli %add3A, %mul3A_1 : i32
    "tpu.region"() ({
      %run_scoped3A = tpu.sem_alloc : memref<!tpu.dma_semaphore, #tpu.memory_space<semaphore_mem>>
      %dma_start3A_166 = tpu.memref_slice %arg2[%mul3A_2] : memref<819200xi32, #tpu.memory_space<hbm>> -> memref<25600xi32, #tpu.memory_space<hbm>>
      %dma_start3A_167 = tpu.memref_slice %arg2[%mul3A_2] : memref<819200xi32, #tpu.memory_space<hbm>> -> memref<25600xi32, #tpu.memory_space<hbm>>
      tpu.enqueue_dma source(%dma_start3A_167 : memref<25600xi32, #tpu.memory_space<hbm>>) target(%arg5 : memref<25600xi32, #tpu.memory_space<vmem>>) target_semaphore(%run_scoped3A : memref<!tpu.dma_semaphore, #tpu.memory_space<semaphore_mem>>)
      %dma_wait3A_168 = tpu.memref_slice %arg2[%mul3A_2] : memref<819200xi32, #tpu.memory_space<hbm>> -> memref<25600xi32, #tpu.memory_space<hbm>>
      %dma_wait3A_169 = tpu.memref_slice %arg2[%mul3A_2] : memref<819200xi32, #tpu.memory_space<hbm>> -> memref<25600xi32, #tpu.memory_space<hbm>>
      tpu.wait_dma2 semaphore(%run_scoped3A : memref<!tpu.dma_semaphore, #tpu.memory_space<semaphore_mem>>) src(%dma_wait3A_169 : memref<25600xi32, #tpu.memory_space<hbm>>) dst(%arg5 : memref<25600xi32, #tpu.memory_space<vmem>>)
      tpu.yield
    }) : () -> ()
    %dma_start3A = arith.constant 0 : i32
    %dma_start3A_3 = tpu.memref_slice %arg5[%dma_start3A] : memref<25600xi32, #tpu.memory_space<vmem>> -> memref<128xi32, #tpu.memory_space<vmem>>
    %dma_start3A_4 = arith.constant 0 : i32
    %dma_start3A_5 = arith.constant 0 : i32
    %dma_start3A_6 = tpu.memref_slice %arg3[%dma_start3A_4, %dma_start3A_5] : memref<100000x64xf32, #tpu.memory_space<hbm>> -> memref<100000x64xf32, #tpu.memory_space<hbm>>
    tpu.enqueue_indirect_dma source(%dma_start3A_6 : memref<100000x64xf32, #tpu.memory_space<hbm>>) target(%arg6 : memref<128x64xf32, #tpu.memory_space<vmem>>) offsets(%dma_start3A_3 : memref<128xi32, #tpu.memory_space<vmem>>) semaphore(%arg14 : memref<!tpu.dma_semaphore, #tpu.memory_space<semaphore_mem>>)
    %dma_start3A_7 = arith.constant 128 : i32
    %dma_start3A_8 = tpu.memref_slice %arg5[%dma_start3A_7] : memref<25600xi32, #tpu.memory_space<vmem>> -> memref<128xi32, #tpu.memory_space<vmem>>
    %dma_start3A_9 = arith.constant 0 : i32
    %dma_start3A_10 = arith.constant 0 : i32
    %dma_start3A_11 = tpu.memref_slice %arg3[%dma_start3A_9, %dma_start3A_10] : memref<100000x64xf32, #tpu.memory_space<hbm>> -> memref<100000x64xf32, #tpu.memory_space<hbm>>
    tpu.enqueue_indirect_dma source(%dma_start3A_11 : memref<100000x64xf32, #tpu.memory_space<hbm>>) target(%arg7 : memref<128x64xf32, #tpu.memory_space<vmem>>) offsets(%dma_start3A_8 : memref<128xi32, #tpu.memory_space<vmem>>) semaphore(%arg15 : memref<!tpu.dma_semaphore, #tpu.memory_space<semaphore_mem>>)
    %dma_start3A_12 = arith.constant 256 : i32
    %dma_start3A_13 = tpu.memref_slice %arg5[%dma_start3A_12] : memref<25600xi32, #tpu.memory_space<vmem>> -> memref<128xi32, #tpu.memory_space<vmem>>
    %dma_start3A_14 = arith.constant 0 : i32
    %dma_start3A_15 = arith.constant 0 : i32
    %dma_start3A_16 = tpu.memref_slice %arg3[%dma_start3A_14, %dma_start3A_15] : memref<100000x64xf32, #tpu.memory_space<hbm>> -> memref<100000x64xf32, #tpu.memory_space<hbm>>
    tpu.enqueue_indirect_dma source(%dma_start3A_16 : memref<100000x64xf32, #tpu.memory_space<hbm>>) target(%arg8 : memref<128x64xf32, #tpu.memory_space<vmem>>) offsets(%dma_start3A_13 : memref<128xi32, #tpu.memory_space<vmem>>) semaphore(%arg16 : memref<!tpu.dma_semaphore, #tpu.memory_space<semaphore_mem>>)
    %dma_start3A_17 = arith.constant 384 : i32
    %dma_start3A_18 = tpu.memref_slice %arg5[%dma_start3A_17] : memref<25600xi32, #tpu.memory_space<vmem>> -> memref<128xi32, #tpu.memory_space<vmem>>
    %dma_start3A_19 = arith.constant 0 : i32
    %dma_start3A_20 = arith.constant 0 : i32
    %dma_start3A_21 = tpu.memref_slice %arg3[%dma_start3A_19, %dma_start3A_20] : memref<100000x64xf32, #tpu.memory_space<hbm>> -> memref<100000x64xf32, #tpu.memory_space<hbm>>
    tpu.enqueue_indirect_dma source(%dma_start3A_21 : memref<100000x64xf32, #tpu.memory_space<hbm>>) target(%arg9 : memref<128x64xf32, #tpu.memory_space<vmem>>) offsets(%dma_start3A_18 : memref<128xi32, #tpu.memory_space<vmem>>) semaphore(%arg17 : memref<!tpu.dma_semaphore, #tpu.memory_space<semaphore_mem>>)
    %dma_wait3A = arith.constant 0 : i32
    %dma_wait3A_22 = tpu.memref_slice %arg5[%dma_wait3A] : memref<25600xi32, #tpu.memory_space<vmem>> -> memref<128xi32, #tpu.memory_space<vmem>>
    %dma_wait3A_23 = arith.constant 0 : i32
    %dma_wait3A_24 = arith.constant 0 : i32
    %dma_wait3A_25 = tpu.memref_slice %arg3[%dma_wait3A_23, %dma_wait3A_24] : memref<100000x64xf32, #tpu.memory_space<hbm>> -> memref<100000x64xf32, #tpu.memory_space<hbm>>
    tpu.wait_indirect_dma semaphore(%arg14 : memref<!tpu.dma_semaphore, #tpu.memory_space<semaphore_mem>>) src(%dma_wait3A_25 : memref<100000x64xf32, #tpu.memory_space<hbm>>) dst(%arg6 : memref<128x64xf32, #tpu.memory_space<vmem>>)
    %add3A_26 = arith.constant 0 : i32
    %add3A_27 = arith.addi %mul3A_2, %add3A_26 : i32
    %dma_start3A_28 = arith.constant 0 : i32
    %dma_start3A_29 = tpu.memref_slice %arg4[%add3A_27, %dma_start3A_28] : memref<819200x64xf32, #tpu.memory_space<hbm>> -> memref<128x64xf32, #tpu.memory_space<hbm>>
    %dma_start3A_30 = arith.constant 0 : i32
    %dma_start3A_31 = tpu.memref_slice %arg4[%add3A_27, %dma_start3A_30] : memref<819200x64xf32, #tpu.memory_space<hbm>> -> memref<128x64xf32, #tpu.memory_space<hbm>>
    tpu.enqueue_dma source(%arg6 : memref<128x64xf32, #tpu.memory_space<vmem>>) target(%dma_start3A_31 : memref<128x64xf32, #tpu.memory_space<hbm>>) target_semaphore(%arg22 : memref<!tpu.dma_semaphore, #tpu.memory_space<semaphore_mem>>)
    %dma_start3A_32 = arith.constant 512 : i32
    %dma_start3A_33 = tpu.memref_slice %arg5[%dma_start3A_32] : memref<25600xi32, #tpu.memory_space<vmem>> -> memref<128xi32, #tpu.memory_space<vmem>>
    %dma_start3A_34 = arith.constant 0 : i32
    %dma_start3A_35 = arith.constant 0 : i32
    %dma_start3A_36 = tpu.memref_slice %arg3[%dma_start3A_34, %dma_start3A_35] : memref<100000x64xf32, #tpu.memory_space<hbm>> -> memref<100000x64xf32, #tpu.memory_space<hbm>>
    tpu.enqueue_indirect_dma source(%dma_start3A_36 : memref<100000x64xf32, #tpu.memory_space<hbm>>) target(%arg10 : memref<128x64xf32, #tpu.memory_space<vmem>>) offsets(%dma_start3A_33 : memref<128xi32, #tpu.memory_space<vmem>>) semaphore(%arg18 : memref<!tpu.dma_semaphore, #tpu.memory_space<semaphore_mem>>)
    %dma_wait3A_37 = arith.constant 0 : i32
    %dma_wait3A_38 = tpu.memref_slice %arg5[%dma_wait3A_37] : memref<25600xi32, #tpu.memory_space<vmem>> -> memref<128xi32, #tpu.memory_space<vmem>>
    %dma_wait3A_39 = arith.constant 0 : i32
    %dma_wait3A_40 = arith.constant 0 : i32
    %dma_wait3A_41 = tpu.memref_slice %arg3[%dma_wait3A_39, %dma_wait3A_40] : memref<100000x64xf32, #tpu.memory_space<hbm>> -> memref<100000x64xf32, #tpu.memory_space<hbm>>
    tpu.wait_indirect_dma semaphore(%arg15 : memref<!tpu.dma_semaphore, #tpu.memory_space<semaphore_mem>>) src(%dma_wait3A_41 : memref<100000x64xf32, #tpu.memory_space<hbm>>) dst(%arg7 : memref<128x64xf32, #tpu.memory_space<vmem>>)
    %add3A_42 = arith.constant 128 : i32
    %add3A_43 = arith.addi %mul3A_2, %add3A_42 : i32
    %dma_start3A_44 = arith.constant 0 : i32
    %dma_start3A_45 = tpu.memref_slice %arg4[%add3A_43, %dma_start3A_44] : memref<819200x64xf32, #tpu.memory_space<hbm>> -> memref<128x64xf32, #tpu.memory_space<hbm>>
    %dma_start3A_46 = arith.constant 0 : i32
    %dma_start3A_47 = tpu.memref_slice %arg4[%add3A_43, %dma_start3A_46] : memref<819200x64xf32, #tpu.memory_space<hbm>> -> memref<128x64xf32, #tpu.memory_space<hbm>>
    tpu.enqueue_dma source(%arg7 : memref<128x64xf32, #tpu.memory_space<vmem>>) target(%dma_start3A_47 : memref<128x64xf32, #tpu.memory_space<hbm>>) target_semaphore(%arg23 : memref<!tpu.dma_semaphore, #tpu.memory_space<semaphore_mem>>)
    %dma_start3A_48 = arith.constant 640 : i32
    %dma_start3A_49 = tpu.memref_slice %arg5[%dma_start3A_48] : memref<25600xi32, #tpu.memory_space<vmem>> -> memref<128xi32, #tpu.memory_space<vmem>>
    %dma_start3A_50 = arith.constant 0 : i32
    %dma_start3A_51 = arith.constant 0 : i32
    %dma_start3A_52 = tpu.memref_slice %arg3[%dma_start3A_50, %dma_start3A_51] : memref<100000x64xf32, #tpu.memory_space<hbm>> -> memref<100000x64xf32, #tpu.memory_space<hbm>>
    tpu.enqueue_indirect_dma source(%dma_start3A_52 : memref<100000x64xf32, #tpu.memory_space<hbm>>) target(%arg11 : memref<128x64xf32, #tpu.memory_space<vmem>>) offsets(%dma_start3A_49 : memref<128xi32, #tpu.memory_space<vmem>>) semaphore(%arg19 : memref<!tpu.dma_semaphore, #tpu.memory_space<semaphore_mem>>)
    %dma_wait3A_53 = arith.constant 0 : i32
    %dma_wait3A_54 = tpu.memref_slice %arg5[%dma_wait3A_53] : memref<25600xi32, #tpu.memory_space<vmem>> -> memref<128xi32, #tpu.memory_space<vmem>>
    %dma_wait3A_55 = arith.constant 0 : i32
    %dma_wait3A_56 = arith.constant 0 : i32
    %dma_wait3A_57 = tpu.memref_slice %arg3[%dma_wait3A_55, %dma_wait3A_56] : memref<100000x64xf32, #tpu.memory_space<hbm>> -> memref<100000x64xf32, #tpu.memory_space<hbm>>
    tpu.wait_indirect_dma semaphore(%arg16 : memref<!tpu.dma_semaphore, #tpu.memory_space<semaphore_mem>>) src(%dma_wait3A_57 : memref<100000x64xf32, #tpu.memory_space<hbm>>) dst(%arg8 : memref<128x64xf32, #tpu.memory_space<vmem>>)
    %add3A_58 = arith.constant 256 : i32
    %add3A_59 = arith.addi %mul3A_2, %add3A_58 : i32
    %dma_start3A_60 = arith.constant 0 : i32
    %dma_start3A_61 = tpu.memref_slice %arg4[%add3A_59, %dma_start3A_60] : memref<819200x64xf32, #tpu.memory_space<hbm>> -> memref<128x64xf32, #tpu.memory_space<hbm>>
    %dma_start3A_62 = arith.constant 0 : i32
    %dma_start3A_63 = tpu.memref_slice %arg4[%add3A_59, %dma_start3A_62] : memref<819200x64xf32, #tpu.memory_space<hbm>> -> memref<128x64xf32, #tpu.memory_space<hbm>>
    tpu.enqueue_dma source(%arg8 : memref<128x64xf32, #tpu.memory_space<vmem>>) target(%dma_start3A_63 : memref<128x64xf32, #tpu.memory_space<hbm>>) target_semaphore(%arg24 : memref<!tpu.dma_semaphore, #tpu.memory_space<semaphore_mem>>)
    %dma_start3A_64 = arith.constant 768 : i32
    %dma_start3A_65 = tpu.memref_slice %arg5[%dma_start3A_64] : memref<25600xi32, #tpu.memory_space<vmem>> -> memref<128xi32, #tpu.memory_space<vmem>>
    %dma_start3A_66 = arith.constant 0 : i32
    %dma_start3A_67 = arith.constant 0 : i32
    %dma_start3A_68 = tpu.memref_slice %arg3[%dma_start3A_66, %dma_start3A_67] : memref<100000x64xf32, #tpu.memory_space<hbm>> -> memref<100000x64xf32, #tpu.memory_space<hbm>>
    tpu.enqueue_indirect_dma source(%dma_start3A_68 : memref<100000x64xf32, #tpu.memory_space<hbm>>) target(%arg12 : memref<128x64xf32, #tpu.memory_space<vmem>>) offsets(%dma_start3A_65 : memref<128xi32, #tpu.memory_space<vmem>>) semaphore(%arg20 : memref<!tpu.dma_semaphore, #tpu.memory_space<semaphore_mem>>)
    %dma_wait3A_69 = arith.constant 0 : i32
    %dma_wait3A_70 = tpu.memref_slice %arg5[%dma_wait3A_69] : memref<25600xi32, #tpu.memory_space<vmem>> -> memref<128xi32, #tpu.memory_space<vmem>>
    %dma_wait3A_71 = arith.constant 0 : i32
    %dma_wait3A_72 = arith.constant 0 : i32
    %dma_wait3A_73 = tpu.memref_slice %arg3[%dma_wait3A_71, %dma_wait3A_72] : memref<100000x64xf32, #tpu.memory_space<hbm>> -> memref<100000x64xf32, #tpu.memory_space<hbm>>
    tpu.wait_indirect_dma semaphore(%arg17 : memref<!tpu.dma_semaphore, #tpu.memory_space<semaphore_mem>>) src(%dma_wait3A_73 : memref<100000x64xf32, #tpu.memory_space<hbm>>) dst(%arg9 : memref<128x64xf32, #tpu.memory_space<vmem>>)
    %add3A_74 = arith.constant 384 : i32
    %add3A_75 = arith.addi %mul3A_2, %add3A_74 : i32
    %dma_start3A_76 = arith.constant 0 : i32
    %dma_start3A_77 = tpu.memref_slice %arg4[%add3A_75, %dma_start3A_76] : memref<819200x64xf32, #tpu.memory_space<hbm>> -> memref<128x64xf32, #tpu.memory_space<hbm>>
    %dma_start3A_78 = arith.constant 0 : i32
    %dma_start3A_79 = tpu.memref_slice %arg4[%add3A_75, %dma_start3A_78] : memref<819200x64xf32, #tpu.memory_space<hbm>> -> memref<128x64xf32, #tpu.memory_space<hbm>>
    tpu.enqueue_dma source(%arg9 : memref<128x64xf32, #tpu.memory_space<vmem>>) target(%dma_start3A_79 : memref<128x64xf32, #tpu.memory_space<hbm>>) target_semaphore(%arg25 : memref<!tpu.dma_semaphore, #tpu.memory_space<semaphore_mem>>)
    %dma_start3A_80 = arith.constant 896 : i32
    %dma_start3A_81 = tpu.memref_slice %arg5[%dma_start3A_80] : memref<25600xi32, #tpu.memory_space<vmem>> -> memref<128xi32, #tpu.memory_space<vmem>>
    %dma_start3A_82 = arith.constant 0 : i32
    %dma_start3A_83 = arith.constant 0 : i32
    %dma_start3A_84 = tpu.memref_slice %arg3[%dma_start3A_82, %dma_start3A_83] : memref<100000x64xf32, #tpu.memory_space<hbm>> -> memref<100000x64xf32, #tpu.memory_space<hbm>>
    tpu.enqueue_indirect_dma source(%dma_start3A_84 : memref<100000x64xf32, #tpu.memory_space<hbm>>) target(%arg13 : memref<128x64xf32, #tpu.memory_space<vmem>>) offsets(%dma_start3A_81 : memref<128xi32, #tpu.memory_space<vmem>>) semaphore(%arg21 : memref<!tpu.dma_semaphore, #tpu.memory_space<semaphore_mem>>)
    %scan3A = arith.constant 0 : i32
    %scan3A_85 = arith.constant 0 : i32
    %scan3A_86 = arith.constant 24 : i32
    %scan3A_87 = arith.addi %scan3A_85, %scan3A_86 : i32
    %scan3A_88 = arith.constant 1 : i32
    scf.for %scan3A_166 = %scan3A_85 to %scan3A_87 step %scan3A_88  : i32 {
      %mul3A_167 = arith.constant 8 : i32
      %mul3A_168 = arith.muli %scan3A_166, %mul3A_167 : i32
      %add3A_169 = arith.constant 4 : i32
      %add3A_170 = arith.addi %add3A_169, %mul3A_168 : i32
      %add3A_171 = arith.constant 0 : i32
      %add3A_172 = arith.addi %add3A_170, %add3A_171 : i32
      %dma_wait3A_173 = arith.constant 0 : i32
      %dma_wait3A_174 = tpu.memref_slice %arg5[%dma_wait3A_173] : memref<25600xi32, #tpu.memory_space<vmem>> -> memref<128xi32, #tpu.memory_space<vmem>>
      %dma_wait3A_175 = arith.constant 0 : i32
      %dma_wait3A_176 = arith.constant 0 : i32
      %dma_wait3A_177 = tpu.memref_slice %arg3[%dma_wait3A_175, %dma_wait3A_176] : memref<100000x64xf32, #tpu.memory_space<hbm>> -> memref<100000x64xf32, #tpu.memory_space<hbm>>
      tpu.wait_indirect_dma semaphore(%arg18 : memref<!tpu.dma_semaphore, #tpu.memory_space<semaphore_mem>>) src(%dma_wait3A_177 : memref<100000x64xf32, #tpu.memory_space<hbm>>) dst(%arg10 : memref<128x64xf32, #tpu.memory_space<vmem>>)
      %mul3A_178 = arith.constant 128 : i32
      %mul3A_179 = arith.muli %add3A_172, %mul3A_178 : i32
      %add3A_180 = arith.addi %mul3A_2, %mul3A_179 : i32
      %dma_start3A_181 = arith.constant 0 : i32
      %dma_start3A_182 = tpu.memref_slice %arg4[%add3A_180, %dma_start3A_181] : memref<819200x64xf32, #tpu.memory_space<hbm>> -> memref<128x64xf32, #tpu.memory_space<hbm>>
      %dma_start3A_183 = arith.constant 0 : i32
      %dma_start3A_184 = tpu.memref_slice %arg4[%add3A_180, %dma_start3A_183] : memref<819200x64xf32, #tpu.memory_space<hbm>> -> memref<128x64xf32, #tpu.memory_space<hbm>>
      tpu.enqueue_dma source(%arg10 : memref<128x64xf32, #tpu.memory_space<vmem>>) target(%dma_start3A_184 : memref<128x64xf32, #tpu.memory_space<hbm>>) target_semaphore(%arg26 : memref<!tpu.dma_semaphore, #tpu.memory_space<semaphore_mem>>)
      %dma_wait3A_185 = arith.constant 0 : i32
      %dma_wait3A_186 = tpu.memref_slice %arg4[%mul3A_2, %dma_wait3A_185] : memref<819200x64xf32, #tpu.memory_space<hbm>> -> memref<128x64xf32, #tpu.memory_space<hbm>>
      %dma_wait3A_187 = arith.constant 0 : i32
      %dma_wait3A_188 = tpu.memref_slice %arg4[%mul3A_2, %dma_wait3A_187] : memref<819200x64xf32, #tpu.memory_space<hbm>> -> memref<128x64xf32, #tpu.memory_space<hbm>>
      tpu.wait_dma2 semaphore(%arg22 : memref<!tpu.dma_semaphore, #tpu.memory_space<semaphore_mem>>) src(%arg6 : memref<128x64xf32, #tpu.memory_space<vmem>>) dst(%dma_wait3A_188 : memref<128x64xf32, #tpu.memory_space<hbm>>)
      %add3A_189 = arith.constant 4 : i32
      %add3A_190 = arith.addi %add3A_172, %add3A_189 : i32
      %mul3A_191 = arith.constant 128 : i32
      %mul3A_192 = arith.muli %add3A_190, %mul3A_191 : i32
      %dma_start3A_193 = tpu.memref_slice %arg5[%mul3A_192] : memref<25600xi32, #tpu.memory_space<vmem>> -> memref<128xi32, #tpu.memory_space<vmem>>
      %dma_start3A_194 = arith.constant 0 : i32
      %dma_start3A_195 = arith.constant 0 : i32
      %dma_start3A_196 = tpu.memref_slice %arg3[%dma_start3A_194, %dma_start3A_195] : memref<100000x64xf32, #tpu.memory_space<hbm>> -> memref<100000x64xf32, #tpu.memory_space<hbm>>
      tpu.enqueue_indirect_dma source(%dma_start3A_196 : memref<100000x64xf32, #tpu.memory_space<hbm>>) target(%arg6 : memref<128x64xf32, #tpu.memory_space<vmem>>) offsets(%dma_start3A_193 : memref<128xi32, #tpu.memory_space<vmem>>) semaphore(%arg14 : memref<!tpu.dma_semaphore, #tpu.memory_space<semaphore_mem>>)
      %mul3A_197 = arith.constant 8 : i32
      %mul3A_198 = arith.muli %scan3A_166, %mul3A_197 : i32
      %add3A_199 = arith.constant 4 : i32
      %add3A_200 = arith.addi %add3A_199, %mul3A_198 : i32
      %add3A_201 = arith.constant 1 : i32
      %add3A_202 = arith.addi %add3A_200, %add3A_201 : i32
      %dma_wait3A_203 = arith.constant 0 : i32
      %dma_wait3A_204 = tpu.memref_slice %arg5[%dma_wait3A_203] : memref<25600xi32, #tpu.memory_space<vmem>> -> memref<128xi32, #tpu.memory_space<vmem>>
      %dma_wait3A_205 = arith.constant 0 : i32
      %dma_wait3A_206 = arith.constant 0 : i32
      %dma_wait3A_207 = tpu.memref_slice %arg3[%dma_wait3A_205, %dma_wait3A_206] : memref<100000x64xf32, #tpu.memory_space<hbm>> -> memref<100000x64xf32, #tpu.memory_space<hbm>>
      tpu.wait_indirect_dma semaphore(%arg19 : memref<!tpu.dma_semaphore, #tpu.memory_space<semaphore_mem>>) src(%dma_wait3A_207 : memref<100000x64xf32, #tpu.memory_space<hbm>>) dst(%arg11 : memref<128x64xf32, #tpu.memory_space<vmem>>)
      %mul3A_208 = arith.constant 128 : i32
      %mul3A_209 = arith.muli %add3A_202, %mul3A_208 : i32
      %add3A_210 = arith.addi %mul3A_2, %mul3A_209 : i32
      %dma_start3A_211 = arith.constant 0 : i32
      %dma_start3A_212 = tpu.memref_slice %arg4[%add3A_210, %dma_start3A_211] : memref<819200x64xf32, #tpu.memory_space<hbm>> -> memref<128x64xf32, #tpu.memory_space<hbm>>
      %dma_start3A_213 = arith.constant 0 : i32
      %dma_start3A_214 = tpu.memref_slice %arg4[%add3A_210, %dma_start3A_213] : memref<819200x64xf32, #tpu.memory_space<hbm>> -> memref<128x64xf32, #tpu.memory_space<hbm>>
      tpu.enqueue_dma source(%arg11 : memref<128x64xf32, #tpu.memory_space<vmem>>) target(%dma_start3A_214 : memref<128x64xf32, #tpu.memory_space<hbm>>) target_semaphore(%arg27 : memref<!tpu.dma_semaphore, #tpu.memory_space<semaphore_mem>>)
      %dma_wait3A_215 = arith.constant 0 : i32
      %dma_wait3A_216 = tpu.memref_slice %arg4[%mul3A_2, %dma_wait3A_215] : memref<819200x64xf32, #tpu.memory_space<hbm>> -> memref<128x64xf32, #tpu.memory_space<hbm>>
      %dma_wait3A_217 = arith.constant 0 : i32
      %dma_wait3A_218 = tpu.memref_slice %arg4[%mul3A_2, %dma_wait3A_217] : memref<819200x64xf32, #tpu.memory_space<hbm>> -> memref<128x64xf32, #tpu.memory_space<hbm>>
      tpu.wait_dma2 semaphore(%arg23 : memref<!tpu.dma_semaphore, #tpu.memory_space<semaphore_mem>>) src(%arg7 : memref<128x64xf32, #tpu.memory_space<vmem>>) dst(%dma_wait3A_218 : memref<128x64xf32, #tpu.memory_space<hbm>>)
      %add3A_219 = arith.constant 4 : i32
      %add3A_220 = arith.addi %add3A_202, %add3A_219 : i32
      %mul3A_221 = arith.constant 128 : i32
      %mul3A_222 = arith.muli %add3A_220, %mul3A_221 : i32
      %dma_start3A_223 = tpu.memref_slice %arg5[%mul3A_222] : memref<25600xi32, #tpu.memory_space<vmem>> -> memref<128xi32, #tpu.memory_space<vmem>>
      %dma_start3A_224 = arith.constant 0 : i32
      %dma_start3A_225 = arith.constant 0 : i32
      %dma_start3A_226 = tpu.memref_slice %arg3[%dma_start3A_224, %dma_start3A_225] : memref<100000x64xf32, #tpu.memory_space<hbm>> -> memref<100000x64xf32, #tpu.memory_space<hbm>>
      tpu.enqueue_indirect_dma source(%dma_start3A_226 : memref<100000x64xf32, #tpu.memory_space<hbm>>) target(%arg7 : memref<128x64xf32, #tpu.memory_space<vmem>>) offsets(%dma_start3A_223 : memref<128xi32, #tpu.memory_space<vmem>>) semaphore(%arg15 : memref<!tpu.dma_semaphore, #tpu.memory_space<semaphore_mem>>)
      %mul3A_227 = arith.constant 8 : i32
      %mul3A_228 = arith.muli %scan3A_166, %mul3A_227 : i32
      %add3A_229 = arith.constant 4 : i32
      %add3A_230 = arith.addi %add3A_229, %mul3A_228 : i32
      %add3A_231 = arith.constant 2 : i32
      %add3A_232 = arith.addi %add3A_230, %add3A_231 : i32
      %dma_wait3A_233 = arith.constant 0 : i32
      %dma_wait3A_234 = tpu.memref_slice %arg5[%dma_wait3A_233] : memref<25600xi32, #tpu.memory_space<vmem>> -> memref<128xi32, #tpu.memory_space<vmem>>
      %dma_wait3A_235 = arith.constant 0 : i32
      %dma_wait3A_236 = arith.constant 0 : i32
      %dma_wait3A_237 = tpu.memref_slice %arg3[%dma_wait3A_235, %dma_wait3A_236] : memref<100000x64xf32, #tpu.memory_space<hbm>> -> memref<100000x64xf32, #tpu.memory_space<hbm>>
      tpu.wait_indirect_dma semaphore(%arg20 : memref<!tpu.dma_semaphore, #tpu.memory_space<semaphore_mem>>) src(%dma_wait3A_237 : memref<100000x64xf32, #tpu.memory_space<hbm>>) dst(%arg12 : memref<128x64xf32, #tpu.memory_space<vmem>>)
      %mul3A_238 = arith.constant 128 : i32
      %mul3A_239 = arith.muli %add3A_232, %mul3A_238 : i32
      %add3A_240 = arith.addi %mul3A_2, %mul3A_239 : i32
      %dma_start3A_241 = arith.constant 0 : i32
      %dma_start3A_242 = tpu.memref_slice %arg4[%add3A_240, %dma_start3A_241] : memref<819200x64xf32, #tpu.memory_space<hbm>> -> memref<128x64xf32, #tpu.memory_space<hbm>>
      %dma_start3A_243 = arith.constant 0 : i32
      %dma_start3A_244 = tpu.memref_slice %arg4[%add3A_240, %dma_start3A_243] : memref<819200x64xf32, #tpu.memory_space<hbm>> -> memref<128x64xf32, #tpu.memory_space<hbm>>
      tpu.enqueue_dma source(%arg12 : memref<128x64xf32, #tpu.memory_space<vmem>>) target(%dma_start3A_244 : memref<128x64xf32, #tpu.memory_space<hbm>>) target_semaphore(%arg28 : memref<!tpu.dma_semaphore, #tpu.memory_space<semaphore_mem>>)
      %dma_wait3A_245 = arith.constant 0 : i32
      %dma_wait3A_246 = tpu.memref_slice %arg4[%mul3A_2, %dma_wait3A_245] : memref<819200x64xf32, #tpu.memory_space<hbm>> -> memref<128x64xf32, #tpu.memory_space<hbm>>
      %dma_wait3A_247 = arith.constant 0 : i32
      %dma_wait3A_248 = tpu.memref_slice %arg4[%mul3A_2, %dma_wait3A_247] : memref<819200x64xf32, #tpu.memory_space<hbm>> -> memref<128x64xf32, #tpu.memory_space<hbm>>
      tpu.wait_dma2 semaphore(%arg24 : memref<!tpu.dma_semaphore, #tpu.memory_space<semaphore_mem>>) src(%arg8 : memref<128x64xf32, #tpu.memory_space<vmem>>) dst(%dma_wait3A_248 : memref<128x64xf32, #tpu.memory_space<hbm>>)
      %add3A_249 = arith.constant 4 : i32
      %add3A_250 = arith.addi %add3A_232, %add3A_249 : i32
      %mul3A_251 = arith.constant 128 : i32
      %mul3A_252 = arith.muli %add3A_250, %mul3A_251 : i32
      %dma_start3A_253 = tpu.memref_slice %arg5[%mul3A_252] : memref<25600xi32, #tpu.memory_space<vmem>> -> memref<128xi32, #tpu.memory_space<vmem>>
      %dma_start3A_254 = arith.constant 0 : i32
      %dma_start3A_255 = arith.constant 0 : i32
      %dma_start3A_256 = tpu.memref_slice %arg3[%dma_start3A_254, %dma_start3A_255] : memref<100000x64xf32, #tpu.memory_space<hbm>> -> memref<100000x64xf32, #tpu.memory_space<hbm>>
      tpu.enqueue_indirect_dma source(%dma_start3A_256 : memref<100000x64xf32, #tpu.memory_space<hbm>>) target(%arg8 : memref<128x64xf32, #tpu.memory_space<vmem>>) offsets(%dma_start3A_253 : memref<128xi32, #tpu.memory_space<vmem>>) semaphore(%arg16 : memref<!tpu.dma_semaphore, #tpu.memory_space<semaphore_mem>>)
      %mul3A_257 = arith.constant 8 : i32
      %mul3A_258 = arith.muli %scan3A_166, %mul3A_257 : i32
      %add3A_259 = arith.constant 4 : i32
      %add3A_260 = arith.addi %add3A_259, %mul3A_258 : i32
      %add3A_261 = arith.constant 3 : i32
      %add3A_262 = arith.addi %add3A_260, %add3A_261 : i32
      %dma_wait3A_263 = arith.constant 0 : i32
      %dma_wait3A_264 = tpu.memref_slice %arg5[%dma_wait3A_263] : memref<25600xi32, #tpu.memory_space<vmem>> -> memref<128xi32, #tpu.memory_space<vmem>>
      %dma_wait3A_265 = arith.constant 0 : i32
      %dma_wait3A_266 = arith.constant 0 : i32
      %dma_wait3A_267 = tpu.memref_slice %arg3[%dma_wait3A_265, %dma_wait3A_266] : memref<100000x64xf32, #tpu.memory_space<hbm>> -> memref<100000x64xf32, #tpu.memory_space<hbm>>
      tpu.wait_indirect_dma semaphore(%arg21 : memref<!tpu.dma_semaphore, #tpu.memory_space<semaphore_mem>>) src(%dma_wait3A_267 : memref<100000x64xf32, #tpu.memory_space<hbm>>) dst(%arg13 : memref<128x64xf32, #tpu.memory_space<vmem>>)
      %mul3A_268 = arith.constant 128 : i32
      %mul3A_269 = arith.muli %add3A_262, %mul3A_268 : i32
      %add3A_270 = arith.addi %mul3A_2, %mul3A_269 : i32
      %dma_start3A_271 = arith.constant 0 : i32
      %dma_start3A_272 = tpu.memref_slice %arg4[%add3A_270, %dma_start3A_271] : memref<819200x64xf32, #tpu.memory_space<hbm>> -> memref<128x64xf32, #tpu.memory_space<hbm>>
      %dma_start3A_273 = arith.constant 0 : i32
      %dma_start3A_274 = tpu.memref_slice %arg4[%add3A_270, %dma_start3A_273] : memref<819200x64xf32, #tpu.memory_space<hbm>> -> memref<128x64xf32, #tpu.memory_space<hbm>>
      tpu.enqueue_dma source(%arg13 : memref<128x64xf32, #tpu.memory_space<vmem>>) target(%dma_start3A_274 : memref<128x64xf32, #tpu.memory_space<hbm>>) target_semaphore(%arg29 : memref<!tpu.dma_semaphore, #tpu.memory_space<semaphore_mem>>)
      %dma_wait3A_275 = arith.constant 0 : i32
      %dma_wait3A_276 = tpu.memref_slice %arg4[%mul3A_2, %dma_wait3A_275] : memref<819200x64xf32, #tpu.memory_space<hbm>> -> memref<128x64xf32, #tpu.memory_space<hbm>>
      %dma_wait3A_277 = arith.constant 0 : i32
      %dma_wait3A_278 = tpu.memref_slice %arg4[%mul3A_2, %dma_wait3A_277] : memref<819200x64xf32, #tpu.memory_space<hbm>> -> memref<128x64xf32, #tpu.memory_space<hbm>>
      tpu.wait_dma2 semaphore(%arg25 : memref<!tpu.dma_semaphore, #tpu.memory_space<semaphore_mem>>) src(%arg9 : memref<128x64xf32, #tpu.memory_space<vmem>>) dst(%dma_wait3A_278 : memref<128x64xf32, #tpu.memory_space<hbm>>)
      %add3A_279 = arith.constant 4 : i32
      %add3A_280 = arith.addi %add3A_262, %add3A_279 : i32
      %mul3A_281 = arith.constant 128 : i32
      %mul3A_282 = arith.muli %add3A_280, %mul3A_281 : i32
      %dma_start3A_283 = tpu.memref_slice %arg5[%mul3A_282] : memref<25600xi32, #tpu.memory_space<vmem>> -> memref<128xi32, #tpu.memory_space<vmem>>
      %dma_start3A_284 = arith.constant 0 : i32
      %dma_start3A_285 = arith.constant 0 : i32
      %dma_start3A_286 = tpu.memref_slice %arg3[%dma_start3A_284, %dma_start3A_285] : memref<100000x64xf32, #tpu.memory_space<hbm>> -> memref<100000x64xf32, #tpu.memory_space<hbm>>
      tpu.enqueue_indirect_dma source(%dma_start3A_286 : memref<100000x64xf32, #tpu.memory_space<hbm>>) target(%arg9 : memref<128x64xf32, #tpu.memory_space<vmem>>) offsets(%dma_start3A_283 : memref<128xi32, #tpu.memory_space<vmem>>) semaphore(%arg17 : memref<!tpu.dma_semaphore, #tpu.memory_space<semaphore_mem>>)
      %mul3A_287 = arith.constant 8 : i32
      %mul3A_288 = arith.muli %scan3A_166, %mul3A_287 : i32
      %add3A_289 = arith.constant 4 : i32
      %add3A_290 = arith.addi %add3A_289, %mul3A_288 : i32
      %add3A_291 = arith.constant 4 : i32
      %add3A_292 = arith.addi %add3A_290, %add3A_291 : i32
      %dma_wait3A_293 = arith.constant 0 : i32
      %dma_wait3A_294 = tpu.memref_slice %arg5[%dma_wait3A_293] : memref<25600xi32, #tpu.memory_space<vmem>> -> memref<128xi32, #tpu.memory_space<vmem>>
      %dma_wait3A_295 = arith.constant 0 : i32
      %dma_wait3A_296 = arith.constant 0 : i32
      %dma_wait3A_297 = tpu.memref_slice %arg3[%dma_wait3A_295, %dma_wait3A_296] : memref<100000x64xf32, #tpu.memory_space<hbm>> -> memref<100000x64xf32, #tpu.memory_space<hbm>>
      tpu.wait_indirect_dma semaphore(%arg14 : memref<!tpu.dma_semaphore, #tpu.memory_space<semaphore_mem>>) src(%dma_wait3A_297 : memref<100000x64xf32, #tpu.memory_space<hbm>>) dst(%arg6 : memref<128x64xf32, #tpu.memory_space<vmem>>)
      %mul3A_298 = arith.constant 128 : i32
      %mul3A_299 = arith.muli %add3A_292, %mul3A_298 : i32
      %add3A_300 = arith.addi %mul3A_2, %mul3A_299 : i32
      %dma_start3A_301 = arith.constant 0 : i32
      %dma_start3A_302 = tpu.memref_slice %arg4[%add3A_300, %dma_start3A_301] : memref<819200x64xf32, #tpu.memory_space<hbm>> -> memref<128x64xf32, #tpu.memory_space<hbm>>
      %dma_start3A_303 = arith.constant 0 : i32
      %dma_start3A_304 = tpu.memref_slice %arg4[%add3A_300, %dma_start3A_303] : memref<819200x64xf32, #tpu.memory_space<hbm>> -> memref<128x64xf32, #tpu.memory_space<hbm>>
      tpu.enqueue_dma source(%arg6 : memref<128x64xf32, #tpu.memory_space<vmem>>) target(%dma_start3A_304 : memref<128x64xf32, #tpu.memory_space<hbm>>) target_semaphore(%arg22 : memref<!tpu.dma_semaphore, #tpu.memory_space<semaphore_mem>>)
      %dma_wait3A_305 = arith.constant 0 : i32
      %dma_wait3A_306 = tpu.memref_slice %arg4[%mul3A_2, %dma_wait3A_305] : memref<819200x64xf32, #tpu.memory_space<hbm>> -> memref<128x64xf32, #tpu.memory_space<hbm>>
      %dma_wait3A_307 = arith.constant 0 : i32
      %dma_wait3A_308 = tpu.memref_slice %arg4[%mul3A_2, %dma_wait3A_307] : memref<819200x64xf32, #tpu.memory_space<hbm>> -> memref<128x64xf32, #tpu.memory_space<hbm>>
      tpu.wait_dma2 semaphore(%arg26 : memref<!tpu.dma_semaphore, #tpu.memory_space<semaphore_mem>>) src(%arg10 : memref<128x64xf32, #tpu.memory_space<vmem>>) dst(%dma_wait3A_308 : memref<128x64xf32, #tpu.memory_space<hbm>>)
      %add3A_309 = arith.constant 4 : i32
      %add3A_310 = arith.addi %add3A_292, %add3A_309 : i32
      %mul3A_311 = arith.constant 128 : i32
      %mul3A_312 = arith.muli %add3A_310, %mul3A_311 : i32
      %dma_start3A_313 = tpu.memref_slice %arg5[%mul3A_312] : memref<25600xi32, #tpu.memory_space<vmem>> -> memref<128xi32, #tpu.memory_space<vmem>>
      %dma_start3A_314 = arith.constant 0 : i32
      %dma_start3A_315 = arith.constant 0 : i32
      %dma_start3A_316 = tpu.memref_slice %arg3[%dma_start3A_314, %dma_start3A_315] : memref<100000x64xf32, #tpu.memory_space<hbm>> -> memref<100000x64xf32, #tpu.memory_space<hbm>>
      tpu.enqueue_indirect_dma source(%dma_start3A_316 : memref<100000x64xf32, #tpu.memory_space<hbm>>) target(%arg10 : memref<128x64xf32, #tpu.memory_space<vmem>>) offsets(%dma_start3A_313 : memref<128xi32, #tpu.memory_space<vmem>>) semaphore(%arg18 : memref<!tpu.dma_semaphore, #tpu.memory_space<semaphore_mem>>)
      %mul3A_317 = arith.constant 8 : i32
      %mul3A_318 = arith.muli %scan3A_166, %mul3A_317 : i32
      %add3A_319 = arith.constant 4 : i32
      %add3A_320 = arith.addi %add3A_319, %mul3A_318 : i32
      %add3A_321 = arith.constant 5 : i32
      %add3A_322 = arith.addi %add3A_320, %add3A_321 : i32
      %dma_wait3A_323 = arith.constant 0 : i32
      %dma_wait3A_324 = tpu.memref_slice %arg5[%dma_wait3A_323] : memref<25600xi32, #tpu.memory_space<vmem>> -> memref<128xi32, #tpu.memory_space<vmem>>
      %dma_wait3A_325 = arith.constant 0 : i32
      %dma_wait3A_326 = arith.constant 0 : i32
      %dma_wait3A_327 = tpu.memref_slice %arg3[%dma_wait3A_325, %dma_wait3A_326] : memref<100000x64xf32, #tpu.memory_space<hbm>> -> memref<100000x64xf32, #tpu.memory_space<hbm>>
      tpu.wait_indirect_dma semaphore(%arg15 : memref<!tpu.dma_semaphore, #tpu.memory_space<semaphore_mem>>) src(%dma_wait3A_327 : memref<100000x64xf32, #tpu.memory_space<hbm>>) dst(%arg7 : memref<128x64xf32, #tpu.memory_space<vmem>>)
      %mul3A_328 = arith.constant 128 : i32
      %mul3A_329 = arith.muli %add3A_322, %mul3A_328 : i32
      %add3A_330 = arith.addi %mul3A_2, %mul3A_329 : i32
      %dma_start3A_331 = arith.constant 0 : i32
      %dma_start3A_332 = tpu.memref_slice %arg4[%add3A_330, %dma_start3A_331] : memref<819200x64xf32, #tpu.memory_space<hbm>> -> memref<128x64xf32, #tpu.memory_space<hbm>>
      %dma_start3A_333 = arith.constant 0 : i32
      %dma_start3A_334 = tpu.memref_slice %arg4[%add3A_330, %dma_start3A_333] : memref<819200x64xf32, #tpu.memory_space<hbm>> -> memref<128x64xf32, #tpu.memory_space<hbm>>
      tpu.enqueue_dma source(%arg7 : memref<128x64xf32, #tpu.memory_space<vmem>>) target(%dma_start3A_334 : memref<128x64xf32, #tpu.memory_space<hbm>>) target_semaphore(%arg23 : memref<!tpu.dma_semaphore, #tpu.memory_space<semaphore_mem>>)
      %dma_wait3A_335 = arith.constant 0 : i32
      %dma_wait3A_336 = tpu.memref_slice %arg4[%mul3A_2, %dma_wait3A_335] : memref<819200x64xf32, #tpu.memory_space<hbm>> -> memref<128x64xf32, #tpu.memory_space<hbm>>
      %dma_wait3A_337 = arith.constant 0 : i32
      %dma_wait3A_338 = tpu.memref_slice %arg4[%mul3A_2, %dma_wait3A_337] : memref<819200x64xf32, #tpu.memory_space<hbm>> -> memref<128x64xf32, #tpu.memory_space<hbm>>
      tpu.wait_dma2 semaphore(%arg27 : memref<!tpu.dma_semaphore, #tpu.memory_space<semaphore_mem>>) src(%arg11 : memref<128x64xf32, #tpu.memory_space<vmem>>) dst(%dma_wait3A_338 : memref<128x64xf32, #tpu.memory_space<hbm>>)
      %add3A_339 = arith.constant 4 : i32
      %add3A_340 = arith.addi %add3A_322, %add3A_339 : i32
      %mul3A_341 = arith.constant 128 : i32
      %mul3A_342 = arith.muli %add3A_340, %mul3A_341 : i32
      %dma_start3A_343 = tpu.memref_slice %arg5[%mul3A_342] : memref<25600xi32, #tpu.memory_space<vmem>> -> memref<128xi32, #tpu.memory_space<vmem>>
      %dma_start3A_344 = arith.constant 0 : i32
      %dma_start3A_345 = arith.constant 0 : i32
      %dma_start3A_346 = tpu.memref_slice %arg3[%dma_start3A_344, %dma_start3A_345] : memref<100000x64xf32, #tpu.memory_space<hbm>> -> memref<100000x64xf32, #tpu.memory_space<hbm>>
      tpu.enqueue_indirect_dma source(%dma_start3A_346 : memref<100000x64xf32, #tpu.memory_space<hbm>>) target(%arg11 : memref<128x64xf32, #tpu.memory_space<vmem>>) offsets(%dma_start3A_343 : memref<128xi32, #tpu.memory_space<vmem>>) semaphore(%arg19 : memref<!tpu.dma_semaphore, #tpu.memory_space<semaphore_mem>>)
      %mul3A_347 = arith.constant 8 : i32
      %mul3A_348 = arith.muli %scan3A_166, %mul3A_347 : i32
      %add3A_349 = arith.constant 4 : i32
      %add3A_350 = arith.addi %add3A_349, %mul3A_348 : i32
      %add3A_351 = arith.constant 6 : i32
      %add3A_352 = arith.addi %add3A_350, %add3A_351 : i32
      %dma_wait3A_353 = arith.constant 0 : i32
      %dma_wait3A_354 = tpu.memref_slice %arg5[%dma_wait3A_353] : memref<25600xi32, #tpu.memory_space<vmem>> -> memref<128xi32, #tpu.memory_space<vmem>>
      %dma_wait3A_355 = arith.constant 0 : i32
      %dma_wait3A_356 = arith.constant 0 : i32
      %dma_wait3A_357 = tpu.memref_slice %arg3[%dma_wait3A_355, %dma_wait3A_356] : memref<100000x64xf32, #tpu.memory_space<hbm>> -> memref<100000x64xf32, #tpu.memory_space<hbm>>
      tpu.wait_indirect_dma semaphore(%arg16 : memref<!tpu.dma_semaphore, #tpu.memory_space<semaphore_mem>>) src(%dma_wait3A_357 : memref<100000x64xf32, #tpu.memory_space<hbm>>) dst(%arg8 : memref<128x64xf32, #tpu.memory_space<vmem>>)
      %mul3A_358 = arith.constant 128 : i32
      %mul3A_359 = arith.muli %add3A_352, %mul3A_358 : i32
      %add3A_360 = arith.addi %mul3A_2, %mul3A_359 : i32
      %dma_start3A_361 = arith.constant 0 : i32
      %dma_start3A_362 = tpu.memref_slice %arg4[%add3A_360, %dma_start3A_361] : memref<819200x64xf32, #tpu.memory_space<hbm>> -> memref<128x64xf32, #tpu.memory_space<hbm>>
      %dma_start3A_363 = arith.constant 0 : i32
      %dma_start3A_364 = tpu.memref_slice %arg4[%add3A_360, %dma_start3A_363] : memref<819200x64xf32, #tpu.memory_space<hbm>> -> memref<128x64xf32, #tpu.memory_space<hbm>>
      tpu.enqueue_dma source(%arg8 : memref<128x64xf32, #tpu.memory_space<vmem>>) target(%dma_start3A_364 : memref<128x64xf32, #tpu.memory_space<hbm>>) target_semaphore(%arg24 : memref<!tpu.dma_semaphore, #tpu.memory_space<semaphore_mem>>)
      %dma_wait3A_365 = arith.constant 0 : i32
      %dma_wait3A_366 = tpu.memref_slice %arg4[%mul3A_2, %dma_wait3A_365] : memref<819200x64xf32, #tpu.memory_space<hbm>> -> memref<128x64xf32, #tpu.memory_space<hbm>>
      %dma_wait3A_367 = arith.constant 0 : i32
      %dma_wait3A_368 = tpu.memref_slice %arg4[%mul3A_2, %dma_wait3A_367] : memref<819200x64xf32, #tpu.memory_space<hbm>> -> memref<128x64xf32, #tpu.memory_space<hbm>>
      tpu.wait_dma2 semaphore(%arg28 : memref<!tpu.dma_semaphore, #tpu.memory_space<semaphore_mem>>) src(%arg12 : memref<128x64xf32, #tpu.memory_space<vmem>>) dst(%dma_wait3A_368 : memref<128x64xf32, #tpu.memory_space<hbm>>)
      %add3A_369 = arith.constant 4 : i32
      %add3A_370 = arith.addi %add3A_352, %add3A_369 : i32
      %mul3A_371 = arith.constant 128 : i32
      %mul3A_372 = arith.muli %add3A_370, %mul3A_371 : i32
      %dma_start3A_373 = tpu.memref_slice %arg5[%mul3A_372] : memref<25600xi32, #tpu.memory_space<vmem>> -> memref<128xi32, #tpu.memory_space<vmem>>
      %dma_start3A_374 = arith.constant 0 : i32
      %dma_start3A_375 = arith.constant 0 : i32
      %dma_start3A_376 = tpu.memref_slice %arg3[%dma_start3A_374, %dma_start3A_375] : memref<100000x64xf32, #tpu.memory_space<hbm>> -> memref<100000x64xf32, #tpu.memory_space<hbm>>
      tpu.enqueue_indirect_dma source(%dma_start3A_376 : memref<100000x64xf32, #tpu.memory_space<hbm>>) target(%arg12 : memref<128x64xf32, #tpu.memory_space<vmem>>) offsets(%dma_start3A_373 : memref<128xi32, #tpu.memory_space<vmem>>) semaphore(%arg20 : memref<!tpu.dma_semaphore, #tpu.memory_space<semaphore_mem>>)
      %mul3A_377 = arith.constant 8 : i32
      %mul3A_378 = arith.muli %scan3A_166, %mul3A_377 : i32
      %add3A_379 = arith.constant 4 : i32
      %add3A_380 = arith.addi %add3A_379, %mul3A_378 : i32
      %add3A_381 = arith.constant 7 : i32
      %add3A_382 = arith.addi %add3A_380, %add3A_381 : i32
      %dma_wait3A_383 = arith.constant 0 : i32
      %dma_wait3A_384 = tpu.memref_slice %arg5[%dma_wait3A_383] : memref<25600xi32, #tpu.memory_space<vmem>> -> memref<128xi32, #tpu.memory_space<vmem>>
      %dma_wait3A_385 = arith.constant 0 : i32
      %dma_wait3A_386 = arith.constant 0 : i32
      %dma_wait3A_387 = tpu.memref_slice %arg3[%dma_wait3A_385, %dma_wait3A_386] : memref<100000x64xf32, #tpu.memory_space<hbm>> -> memref<100000x64xf32, #tpu.memory_space<hbm>>
      tpu.wait_indirect_dma semaphore(%arg17 : memref<!tpu.dma_semaphore, #tpu.memory_space<semaphore_mem>>) src(%dma_wait3A_387 : memref<100000x64xf32, #tpu.memory_space<hbm>>) dst(%arg9 : memref<128x64xf32, #tpu.memory_space<vmem>>)
      %mul3A_388 = arith.constant 128 : i32
      %mul3A_389 = arith.muli %add3A_382, %mul3A_388 : i32
      %add3A_390 = arith.addi %mul3A_2, %mul3A_389 : i32
      %dma_start3A_391 = arith.constant 0 : i32
      %dma_start3A_392 = tpu.memref_slice %arg4[%add3A_390, %dma_start3A_391] : memref<819200x64xf32, #tpu.memory_space<hbm>> -> memref<128x64xf32, #tpu.memory_space<hbm>>
      %dma_start3A_393 = arith.constant 0 : i32
      %dma_start3A_394 = tpu.memref_slice %arg4[%add3A_390, %dma_start3A_393] : memref<819200x64xf32, #tpu.memory_space<hbm>> -> memref<128x64xf32, #tpu.memory_space<hbm>>
      tpu.enqueue_dma source(%arg9 : memref<128x64xf32, #tpu.memory_space<vmem>>) target(%dma_start3A_394 : memref<128x64xf32, #tpu.memory_space<hbm>>) target_semaphore(%arg25 : memref<!tpu.dma_semaphore, #tpu.memory_space<semaphore_mem>>)
      %dma_wait3A_395 = arith.constant 0 : i32
      %dma_wait3A_396 = tpu.memref_slice %arg4[%mul3A_2, %dma_wait3A_395] : memref<819200x64xf32, #tpu.memory_space<hbm>> -> memref<128x64xf32, #tpu.memory_space<hbm>>
      %dma_wait3A_397 = arith.constant 0 : i32
      %dma_wait3A_398 = tpu.memref_slice %arg4[%mul3A_2, %dma_wait3A_397] : memref<819200x64xf32, #tpu.memory_space<hbm>> -> memref<128x64xf32, #tpu.memory_space<hbm>>
      tpu.wait_dma2 semaphore(%arg29 : memref<!tpu.dma_semaphore, #tpu.memory_space<semaphore_mem>>) src(%arg13 : memref<128x64xf32, #tpu.memory_space<vmem>>) dst(%dma_wait3A_398 : memref<128x64xf32, #tpu.memory_space<hbm>>)
      %add3A_399 = arith.constant 4 : i32
      %add3A_400 = arith.addi %add3A_382, %add3A_399 : i32
      %mul3A_401 = arith.constant 128 : i32
      %mul3A_402 = arith.muli %add3A_400, %mul3A_401 : i32
      %dma_start3A_403 = tpu.memref_slice %arg5[%mul3A_402] : memref<25600xi32, #tpu.memory_space<vmem>> -> memref<128xi32, #tpu.memory_space<vmem>>
      %dma_start3A_404 = arith.constant 0 : i32
      %dma_start3A_405 = arith.constant 0 : i32
      %dma_start3A_406 = tpu.memref_slice %arg3[%dma_start3A_404, %dma_start3A_405] : memref<100000x64xf32, #tpu.memory_space<hbm>> -> memref<100000x64xf32, #tpu.memory_space<hbm>>
      tpu.enqueue_indirect_dma source(%dma_start3A_406 : memref<100000x64xf32, #tpu.memory_space<hbm>>) target(%arg13 : memref<128x64xf32, #tpu.memory_space<vmem>>) offsets(%dma_start3A_403 : memref<128xi32, #tpu.memory_space<vmem>>) semaphore(%arg21 : memref<!tpu.dma_semaphore, #tpu.memory_space<semaphore_mem>>)
    }
    %scan3A_89 = arith.constant 24 : i32
    %dma_wait3A_90 = arith.constant 0 : i32
    %dma_wait3A_91 = tpu.memref_slice %arg5[%dma_wait3A_90] : memref<25600xi32, #tpu.memory_space<vmem>> -> memref<128xi32, #tpu.memory_space<vmem>>
    %dma_wait3A_92 = arith.constant 0 : i32
    %dma_wait3A_93 = arith.constant 0 : i32
    %dma_wait3A_94 = tpu.memref_slice %arg3[%dma_wait3A_92, %dma_wait3A_93] : memref<100000x64xf32, #tpu.memory_space<hbm>> -> memref<100000x64xf32, #tpu.memory_space<hbm>>
    tpu.wait_indirect_dma semaphore(%arg18 : memref<!tpu.dma_semaphore, #tpu.memory_space<semaphore_mem>>) src(%dma_wait3A_94 : memref<100000x64xf32, #tpu.memory_space<hbm>>) dst(%arg10 : memref<128x64xf32, #tpu.memory_space<vmem>>)
    %add3A_95 = arith.constant 25088 : i32
    %add3A_96 = arith.addi %mul3A_2, %add3A_95 : i32
    %dma_start3A_97 = arith.constant 0 : i32
    %dma_start3A_98 = tpu.memref_slice %arg4[%add3A_96, %dma_start3A_97] : memref<819200x64xf32, #tpu.memory_space<hbm>> -> memref<128x64xf32, #tpu.memory_space<hbm>>
    %dma_start3A_99 = arith.constant 0 : i32
    %dma_start3A_100 = tpu.memref_slice %arg4[%add3A_96, %dma_start3A_99] : memref<819200x64xf32, #tpu.memory_space<hbm>> -> memref<128x64xf32, #tpu.memory_space<hbm>>
    tpu.enqueue_dma source(%arg10 : memref<128x64xf32, #tpu.memory_space<vmem>>) target(%dma_start3A_100 : memref<128x64xf32, #tpu.memory_space<hbm>>) target_semaphore(%arg26 : memref<!tpu.dma_semaphore, #tpu.memory_space<semaphore_mem>>)
    %dma_wait3A_101 = arith.constant 0 : i32
    %dma_wait3A_102 = tpu.memref_slice %arg5[%dma_wait3A_101] : memref<25600xi32, #tpu.memory_space<vmem>> -> memref<128xi32, #tpu.memory_space<vmem>>
    %dma_wait3A_103 = arith.constant 0 : i32
    %dma_wait3A_104 = arith.constant 0 : i32
    %dma_wait3A_105 = tpu.memref_slice %arg3[%dma_wait3A_103, %dma_wait3A_104] : memref<100000x64xf32, #tpu.memory_space<hbm>> -> memref<100000x64xf32, #tpu.memory_space<hbm>>
    tpu.wait_indirect_dma semaphore(%arg19 : memref<!tpu.dma_semaphore, #tpu.memory_space<semaphore_mem>>) src(%dma_wait3A_105 : memref<100000x64xf32, #tpu.memory_space<hbm>>) dst(%arg11 : memref<128x64xf32, #tpu.memory_space<vmem>>)
    %add3A_106 = arith.constant 25216 : i32
    %add3A_107 = arith.addi %mul3A_2, %add3A_106 : i32
    %dma_start3A_108 = arith.constant 0 : i32
    %dma_start3A_109 = tpu.memref_slice %arg4[%add3A_107, %dma_start3A_108] : memref<819200x64xf32, #tpu.memory_space<hbm>> -> memref<128x64xf32, #tpu.memory_space<hbm>>
    %dma_start3A_110 = arith.constant 0 : i32
    %dma_start3A_111 = tpu.memref_slice %arg4[%add3A_107, %dma_start3A_110] : memref<819200x64xf32, #tpu.memory_space<hbm>> -> memref<128x64xf32, #tpu.memory_space<hbm>>
    tpu.enqueue_dma source(%arg11 : memref<128x64xf32, #tpu.memory_space<vmem>>) target(%dma_start3A_111 : memref<128x64xf32, #tpu.memory_space<hbm>>) target_semaphore(%arg27 : memref<!tpu.dma_semaphore, #tpu.memory_space<semaphore_mem>>)
    %dma_wait3A_112 = arith.constant 0 : i32
    %dma_wait3A_113 = tpu.memref_slice %arg5[%dma_wait3A_112] : memref<25600xi32, #tpu.memory_space<vmem>> -> memref<128xi32, #tpu.memory_space<vmem>>
    %dma_wait3A_114 = arith.constant 0 : i32
    %dma_wait3A_115 = arith.constant 0 : i32
    %dma_wait3A_116 = tpu.memref_slice %arg3[%dma_wait3A_114, %dma_wait3A_115] : memref<100000x64xf32, #tpu.memory_space<hbm>> -> memref<100000x64xf32, #tpu.memory_space<hbm>>
    tpu.wait_indirect_dma semaphore(%arg20 : memref<!tpu.dma_semaphore, #tpu.memory_space<semaphore_mem>>) src(%dma_wait3A_116 : memref<100000x64xf32, #tpu.memory_space<hbm>>) dst(%arg12 : memref<128x64xf32, #tpu.memory_space<vmem>>)
    %add3A_117 = arith.constant 25344 : i32
    %add3A_118 = arith.addi %mul3A_2, %add3A_117 : i32
    %dma_start3A_119 = arith.constant 0 : i32
    %dma_start3A_120 = tpu.memref_slice %arg4[%add3A_118, %dma_start3A_119] : memref<819200x64xf32, #tpu.memory_space<hbm>> -> memref<128x64xf32, #tpu.memory_space<hbm>>
    %dma_start3A_121 = arith.constant 0 : i32
    %dma_start3A_122 = tpu.memref_slice %arg4[%add3A_118, %dma_start3A_121] : memref<819200x64xf32, #tpu.memory_space<hbm>> -> memref<128x64xf32, #tpu.memory_space<hbm>>
    tpu.enqueue_dma source(%arg12 : memref<128x64xf32, #tpu.memory_space<vmem>>) target(%dma_start3A_122 : memref<128x64xf32, #tpu.memory_space<hbm>>) target_semaphore(%arg28 : memref<!tpu.dma_semaphore, #tpu.memory_space<semaphore_mem>>)
    %dma_wait3A_123 = arith.constant 0 : i32
    %dma_wait3A_124 = tpu.memref_slice %arg5[%dma_wait3A_123] : memref<25600xi32, #tpu.memory_space<vmem>> -> memref<128xi32, #tpu.memory_space<vmem>>
    %dma_wait3A_125 = arith.constant 0 : i32
    %dma_wait3A_126 = arith.constant 0 : i32
    %dma_wait3A_127 = tpu.memref_slice %arg3[%dma_wait3A_125, %dma_wait3A_126] : memref<100000x64xf32, #tpu.memory_space<hbm>> -> memref<100000x64xf32, #tpu.memory_space<hbm>>
    tpu.wait_indirect_dma semaphore(%arg21 : memref<!tpu.dma_semaphore, #tpu.memory_space<semaphore_mem>>) src(%dma_wait3A_127 : memref<100000x64xf32, #tpu.memory_space<hbm>>) dst(%arg13 : memref<128x64xf32, #tpu.memory_space<vmem>>)
    %add3A_128 = arith.constant 25472 : i32
    %add3A_129 = arith.addi %mul3A_2, %add3A_128 : i32
    %dma_start3A_130 = arith.constant 0 : i32
    %dma_start3A_131 = tpu.memref_slice %arg4[%add3A_129, %dma_start3A_130] : memref<819200x64xf32, #tpu.memory_space<hbm>> -> memref<128x64xf32, #tpu.memory_space<hbm>>
    %dma_start3A_132 = arith.constant 0 : i32
    %dma_start3A_133 = tpu.memref_slice %arg4[%add3A_129, %dma_start3A_132] : memref<819200x64xf32, #tpu.memory_space<hbm>> -> memref<128x64xf32, #tpu.memory_space<hbm>>
    tpu.enqueue_dma source(%arg13 : memref<128x64xf32, #tpu.memory_space<vmem>>) target(%dma_start3A_133 : memref<128x64xf32, #tpu.memory_space<hbm>>) target_semaphore(%arg29 : memref<!tpu.dma_semaphore, #tpu.memory_space<semaphore_mem>>)
    %dma_wait3A_134 = arith.constant 0 : i32
    %dma_wait3A_135 = tpu.memref_slice %arg4[%mul3A_2, %dma_wait3A_134] : memref<819200x64xf32, #tpu.memory_space<hbm>> -> memref<128x64xf32, #tpu.memory_space<hbm>>
    %dma_wait3A_136 = arith.constant 0 : i32
    %dma_wait3A_137 = tpu.memref_slice %arg4[%mul3A_2, %dma_wait3A_136] : memref<819200x64xf32, #tpu.memory_space<hbm>> -> memref<128x64xf32, #tpu.memory_space<hbm>>
    tpu.wait_dma2 semaphore(%arg22 : memref<!tpu.dma_semaphore, #tpu.memory_space<semaphore_mem>>) src(%arg6 : memref<128x64xf32, #tpu.memory_space<vmem>>) dst(%dma_wait3A_137 : memref<128x64xf32, #tpu.memory_space<hbm>>)
    %dma_wait3A_138 = arith.constant 0 : i32
    %dma_wait3A_139 = tpu.memref_slice %arg4[%mul3A_2, %dma_wait3A_138] : memref<819200x64xf32, #tpu.memory_space<hbm>> -> memref<128x64xf32, #tpu.memory_space<hbm>>
    %dma_wait3A_140 = arith.constant 0 : i32
    %dma_wait3A_141 = tpu.memref_slice %arg4[%mul3A_2, %dma_wait3A_140] : memref<819200x64xf32, #tpu.memory_space<hbm>> -> memref<128x64xf32, #tpu.memory_space<hbm>>
    tpu.wait_dma2 semaphore(%arg23 : memref<!tpu.dma_semaphore, #tpu.memory_space<semaphore_mem>>) src(%arg7 : memref<128x64xf32, #tpu.memory_space<vmem>>) dst(%dma_wait3A_141 : memref<128x64xf32, #tpu.memory_space<hbm>>)
    %dma_wait3A_142 = arith.constant 0 : i32
    %dma_wait3A_143 = tpu.memref_slice %arg4[%mul3A_2, %dma_wait3A_142] : memref<819200x64xf32, #tpu.memory_space<hbm>> -> memref<128x64xf32, #tpu.memory_space<hbm>>
    %dma_wait3A_144 = arith.constant 0 : i32
    %dma_wait3A_145 = tpu.memref_slice %arg4[%mul3A_2, %dma_wait3A_144] : memref<819200x64xf32, #tpu.memory_space<hbm>> -> memref<128x64xf32, #tpu.memory_space<hbm>>
    tpu.wait_dma2 semaphore(%arg24 : memref<!tpu.dma_semaphore, #tpu.memory_space<semaphore_mem>>) src(%arg8 : memref<128x64xf32, #tpu.memory_space<vmem>>) dst(%dma_wait3A_145 : memref<128x64xf32, #tpu.memory_space<hbm>>)
    %dma_wait3A_146 = arith.constant 0 : i32
    %dma_wait3A_147 = tpu.memref_slice %arg4[%mul3A_2, %dma_wait3A_146] : memref<819200x64xf32, #tpu.memory_space<hbm>> -> memref<128x64xf32, #tpu.memory_space<hbm>>
    %dma_wait3A_148 = arith.constant 0 : i32
    %dma_wait3A_149 = tpu.memref_slice %arg4[%mul3A_2, %dma_wait3A_148] : memref<819200x64xf32, #tpu.memory_space<hbm>> -> memref<128x64xf32, #tpu.memory_space<hbm>>
    tpu.wait_dma2 semaphore(%arg25 : memref<!tpu.dma_semaphore, #tpu.memory_space<semaphore_mem>>) src(%arg9 : memref<128x64xf32, #tpu.memory_space<vmem>>) dst(%dma_wait3A_149 : memref<128x64xf32, #tpu.memory_space<hbm>>)
    %dma_wait3A_150 = arith.constant 0 : i32
    %dma_wait3A_151 = tpu.memref_slice %arg4[%mul3A_2, %dma_wait3A_150] : memref<819200x64xf32, #tpu.memory_space<hbm>> -> memref<128x64xf32, #tpu.memory_space<hbm>>
    %dma_wait3A_152 = arith.constant 0 : i32
    %dma_wait3A_153 = tpu.memref_slice %arg4[%mul3A_2, %dma_wait3A_152] : memref<819200x64xf32, #tpu.memory_space<hbm>> -> memref<128x64xf32, #tpu.memory_space<hbm>>
    tpu.wait_dma2 semaphore(%arg26 : memref<!tpu.dma_semaphore, #tpu.memory_space<semaphore_mem>>) src(%arg10 : memref<128x64xf32, #tpu.memory_space<vmem>>) dst(%dma_wait3A_153 : memref<128x64xf32, #tpu.memory_space<hbm>>)
    %dma_wait3A_154 = arith.constant 0 : i32
    %dma_wait3A_155 = tpu.memref_slice %arg4[%mul3A_2, %dma_wait3A_154] : memref<819200x64xf32, #tpu.memory_space<hbm>> -> memref<128x64xf32, #tpu.memory_space<hbm>>
    %dma_wait3A_156 = arith.constant 0 : i32
    %dma_wait3A_157 = tpu.memref_slice %arg4[%mul3A_2, %dma_wait3A_156] : memref<819200x64xf32, #tpu.memory_space<hbm>> -> memref<128x64xf32, #tpu.memory_space<hbm>>
    tpu.wait_dma2 semaphore(%arg27 : memref<!tpu.dma_semaphore, #tpu.memory_space<semaphore_mem>>) src(%arg11 : memref<128x64xf32, #tpu.memory_space<vmem>>) dst(%dma_wait3A_157 : memref<128x64xf32, #tpu.memory_space<hbm>>)
    %dma_wait3A_158 = arith.constant 0 : i32
    %dma_wait3A_159 = tpu.memref_slice %arg4[%mul3A_2, %dma_wait3A_158] : memref<819200x64xf32, #tpu.memory_space<hbm>> -> memref<128x64xf32, #tpu.memory_space<hbm>>
    %dma_wait3A_160 = arith.constant 0 : i32
    %dma_wait3A_161 = tpu.memref_slice %arg4[%mul3A_2, %dma_wait3A_160] : memref<819200x64xf32, #tpu.memory_space<hbm>> -> memref<128x64xf32, #tpu.memory_space<hbm>>
    tpu.wait_dma2 semaphore(%arg28 : memref<!tpu.dma_semaphore, #tpu.memory_space<semaphore_mem>>) src(%arg12 : memref<128x64xf32, #tpu.memory_space<vmem>>) dst(%dma_wait3A_161 : memref<128x64xf32, #tpu.memory_space<hbm>>)
    %dma_wait3A_162 = arith.constant 0 : i32
    %dma_wait3A_163 = tpu.memref_slice %arg4[%mul3A_2, %dma_wait3A_162] : memref<819200x64xf32, #tpu.memory_space<hbm>> -> memref<128x64xf32, #tpu.memory_space<hbm>>
    %dma_wait3A_164 = arith.constant 0 : i32
    %dma_wait3A_165 = tpu.memref_slice %arg4[%mul3A_2, %dma_wait3A_164] : memref<819200x64xf32, #tpu.memory_space<hbm>> -> memref<128x64xf32, #tpu.memory_space<hbm>>
    tpu.wait_dma2 semaphore(%arg29 : memref<!tpu.dma_semaphore, #tpu.memory_space<semaphore_mem>>) src(%arg13 : memref<128x64xf32, #tpu.memory_space<vmem>>) dst(%dma_wait3A_165 : memref<128x64xf32, #tpu.memory_space<hbm>>)
    return
  }
}

</mosaic_0001>

<sc_bundles>
// kernel: kernel.3.cloned.1.call-start
scs
__scs_entry_jumppad:
0x0: {  	(pc) =	sbr.rel $0x88, $3  }
0x1: {  	(tag) =	ssettag $0x0;
	lr =	simm.s32 $0x1  }
0x2: {  	[smem:$0x3F9F] =	sst lr;
	_ =	strace $0xD0000000  }
0x3: {  	_ = 	snop  }
0x4: {  	_ = 	snop  }
0x5: {  	_ = 	snop  }
0x6: {  	_ = 	snop  }
0x7: {  	_ = 	snop  }
__scs_overlays_trampoline_lowered:
0x8: {  	[smem:$0x3FAE] =	sst s0  }
0x9: {  	[smem:$0x3FAF] =	sst s1  }
0xa: {  	[smem:$0x3FB0] =	sst s2  }
0xb: {  	[smem:$0x3FB1] =	sst s3  }
0xc: {  	[smem:$0x3FB2] =	sst s4  }
0xd: {  	[smem:$0x3FB3] =	sst s5  }
0xe: {  	[smem:$0x3FB4] =	sst s6  }
0xf: {  	[smem:$0x3FB5] =	sst s7  }
0x10: {  	[smem:$0x3FB6] =	sst s8  }
0x11: {  	[smem:$0x3FB7] =	sst s9;
	s0 =	simm.s32 @!p0 $0x0  }
0x12: {  	s1 =	sld [smem:$0x3F9D];
	s0 =	simm.s32 @p0 $0x1  }
0x13: {  	[smem:$0x3FB8] =	sst s0;
	s0 =	simm.s32 @!p1 $0x0  }
0x14: {  	s2 =	sld [smem:$0x3F9C];
	s0 =	simm.s32 @p1 $0x1  }
0x15: {  	[smem:$0x3FB9] =	sst s0;
	s0 =	simm.s32 @!p2 $0x0  }
0x16: {  	s3 =	sld [smem:$0x3FDB];
	s0 =	simm.s32 @p2 $0x1  }
0x17: {  	s4 =	simm.s32 $0x1BF5;
	[smem:$0x3FBB] =	sst s0  }
0x18: {  	s0 =	sld [smem:$0x3F9E];
	_ =	swait.ge [sflag:s4], $0x0  }
0x19: {  	s7 =	sld [smem:$0x3F9F]  }
0x1a: {  	s8 =	sadd.s32 $0xFFFFE003, lr  }
0x1b: {  	s9 =	sadd.s32 $0xFFFFFEF7, lr;
	s5 =	simm.s32 $0xFFFFFFFF;
	p2 =	slt.u32 s8, $0xFFFFF086  }
0x1c: {  	p1 =	slt.u32 s9, $0xF7A;
	s5 =	simm.s32 @!p2 $0x0  }
0x1d: {  	s5 =	simm.s32 @p1 $0x1;
	p0 =	seq.s32 s7, s2  }
0x1e: {  	s7 =	smul.u32 @!p0 $0xF7A, s2;
	p2 =	seq.s32 @!p0 s5, $0x0  }
0x1f: {  	s9 =	smul.u32 $0xF7A, s1;
	s8 =	simm.s32 @!p0 $0x1BF5;
	p2 =	por !p2, p0  }
0x20: {  	[sflag:s8] =	ssyncset.s32 @!p0 $0xFFFFF086;
	s6 =	sadd.s32 @!p0 s3, s7;
	s7 =	simm.s32 @!p0 $0x108  }
0x21: {  	s3 =	sadd.s32 s3, s9;
	s6 =	sadd.s32 @!p0 $0x88, s6;
	s7 =	simm.s32 @p2 $0x1082  }
0x22: {  	[simem:s7], [sflag:s8] =	dma.local @!p0 [hbm:s6], $0xF7A  }
0x23: {  	s9 =	sor.u32 $0xD0000000, s2;
	s6 =	simm.s32 $0x108;
	_ =	swait.ge @!p0 [sflag:s8], $0x0  }
0x24: {  	s3 =	sadd.s32 $0x88, s3;
	s6 =	simm.s32 @!p1 $0x1082;
	[sflag:s4] =	ssyncset.s32 $0xFFFFF086  }
0x25: {  	[simem:s6], [sflag:s4] =	dma.local [hbm:s3], $0xF7A  }
0x26: {  	[smem:$0x3F9F] =	sst s1;
	(tag) =	ssettag s2;
	_ =	strace s9  }
0x27: {  	s1 =	sld [smem:$0x3FAF]  }
0x28: {  	s2 =	sld [smem:$0x3FB0]  }
0x29: {  	s4 =	sld [smem:$0x3FB2]  }
0x2a: {  	p0 =	seq.s32 s5, $0x0;
	s5 =	sld [smem:$0x3FB3]  }
0x2b: {  	s6 =	sld [smem:$0x3FB4]  }
0x2c: {  	s7 =	sld [smem:$0x3FB5]  }
0x2d: {  	s3 =	simm.s32 $0x108;
	s8 =	sld [smem:$0x3FB6]  }
0x2e: {  	s3 =	simm.s32 @!p0 $0x1082;
	s9 =	sld [smem:$0x3FB7]  }
0x2f: {  	lr =	sadd.s32 s0, s3;
	s0 =	sld [smem:$0x3FAE]  }
0x30: {  	s3 =	sld [smem:$0x3FB1]  }
0x31: {  	[smem:$0x3FBA] =	sst s10  }
0x32: {  	s10 =	sld [smem:$0x3FB8];
	_ =	sdelay $0x3  }
0x33: {  	p0 =	seq.s32 s10, $0x1;
	s10 =	sld [smem:$0x3FBA];
	_ =	sdelay $0x3  }
0x34: {  	[smem:$0x3FBA] =	sst s10  }
0x35: {  	s10 =	sld [smem:$0x3FB9];
	_ =	sdelay $0x3  }
0x36: {  	p1 =	seq.s32 s10, $0x1;
	s10 =	sld [smem:$0x3FBA];
	_ =	sdelay $0x3  }
0x37: {  	[smem:$0x3FBA] =	sst s10  }
0x38: {  	s10 =	sld [smem:$0x3FBB]  }
0x39: {  	_ = 	snop;
	(pc) =	sbr.ind lr, $3  }
0x3a: {  	_ = 	snop  }
0x3b: {  	_ = 	snop  }
0x3c: {  	p2 =	seq.s32 s10, $0x1;
	s10 =	sld [smem:$0x3FBA]  }
0x3d: {  	_ =	shalt  }
0x3e: {  	_ =	shalt  }
0x3f: {  	_ =	shalt  }
0x40: {  	_ =	shalt  }
0x41: {  	_ =	shalt  }
0x42: {  	_ =	shalt  }
0x43: {  	_ =	shalt  }
0x44: {  	_ =	shalt  }
0x45: {  	_ =	shalt  }
0x46: {  	_ =	shalt  }
0x47: {  	_ =	shalt  }
0x48: {  	_ =	shalt  }
0x49: {  	_ =	shalt  }
0x4a: {  	_ =	shalt  }
0x4b: {  	_ =	shalt  }
0x4c: {  	_ =	shalt  }
0x4d: {  	_ =	shalt  }
0x4e: {  	_ =	shalt  }
0x4f: {  	_ =	shalt  }
0x50: {  	_ =	shalt  }
0x51: {  	_ =	shalt  }
0x52: {  	_ =	shalt  }
0x53: {  	_ =	shalt  }
0x54: {  	_ =	shalt  }
0x55: {  	_ =	shalt  }
0x56: {  	_ =	shalt  }
0x57: {  	_ =	shalt  }
0x58: {  	_ =	shalt  }
0x59: {  	_ =	shalt  }
0x5a: {  	_ =	shalt  }
0x5b: {  	_ =	shalt  }
0x5c: {  	_ =	shalt  }
0x5d: {  	_ =	shalt  }
0x5e: {  	_ =	shalt  }
0x5f: {  	_ =	shalt  }
0x60: {  	_ =	shalt  }
0x61: {  	_ =	shalt  }
0x62: {  	_ =	shalt  }
0x63: {  	_ =	shalt  }
0x64: {  	_ =	shalt  }
0x65: {  	_ =	shalt  }
0x66: {  	_ =	shalt  }
0x67: {  	_ =	shalt  }
0x68: {  	_ =	shalt  }
0x69: {  	_ =	shalt  }
0x6a: {  	_ =	shalt  }
0x6b: {  	_ =	shalt  }
0x6c: {  	_ =	shalt  }
0x6d: {  	_ =	shalt  }
0x6e: {  	_ =	shalt  }
0x6f: {  	_ =	shalt  }
0x70: {  	_ =	shalt  }
0x71: {  	_ =	shalt  }
0x72: {  	_ =	shalt  }
0x73: {  	_ =	shalt  }
0x74: {  	_ =	shalt  }
0x75: {  	_ =	shalt  }
0x76: {  	_ =	shalt  }
0x77: {  	_ =	shalt  }
0x78: {  	_ =	shalt  }
0x79: {  	_ =	shalt  }
0x7a: {  	_ =	shalt  }
0x7b: {  	_ =	shalt  }
0x7c: {  	_ =	shalt  }
0x7d: {  	_ =	shalt  }
0x7e: {  	_ =	shalt  }
0x7f: {  	_ =	shalt  }
0x80: {  	_ =	shalt  }
0x81: {  	_ =	shalt  }
0x82: {  	_ =	shalt  }
0x83: {  	_ =	shalt  }
0x84: {  	_ =	shalt  }
0x85: {  	_ =	shalt  }
0x86: {  	_ =	shalt  }
0x87: {  	_ =	shalt  }
.Lfunc_end0:
.L_simem_size_0:
called_computation.1_lowered:
.L_overlay_start_0:
0x88: {  	s2 =	sld [smem:$0x3FD9]  }
0x89: {  	s3 =	sld [smem:$0x3FFE];
	_ =	sdelay $0x1  }
0x8a: {  	s1 =	srdreg.scid  }
0x8b: {  	s0 =	sand.u32 $0x1, s1  }
0x8c: {  	s17 =	sshll.u32 s0, $0xA;
	s2 =	sadd.s32 s3, s2  }
0x8d: {  	s2 =	sadd.s32 s2, s17  }
0x8e: {  	[smem:$0x3FC6] =	sst s2  }
0x8f: {  	_ = 	snop  }
0x90: {  	s2 =	sld [smem:$0x3FD0];
	(tm) =	ssettm $0x1  }
0x91: {  	s18 =	sld [smem:$0x3FFB];
	_ =	sdelay $0x3  }
0x92: {  	_ =	strace s18  }
0x93: {  	s3 =	sld [smem:$0x3FFC];
	_ =	sdelay $0x3  }
0x94: {  	_ =	strace s3  }
0x95: {  	s3 =	sld [smem:$0x3FFD];
	_ =	sdelay $0x3  }
0x96: {  	_ =	strace s3  }
0x97: {  	_ =	strace $0x8FFFFFFF  }
0x98: {  	s19 =	sld [smem:$0x3FDB];
	_ =	sdelay $0x1  }
0x99: {  	s4 =	simm.s32 $_scs_section_size  }
0x9a: {  	s5 =	simm.s32 $_size__tile_overlayer_lowered;
	s6 =	simm.s32 $_tile_overlayer_lowered  }
0x9b: {  	s22 =	simm.s32 $0x1BFF;
	s21 =	sshll.u32 s6, $0x1;
	s3 =	sadd.s32 s4, s19  }
0x9c: {  	s7 =	simm.s32 $0x0;
	s20 =	sshll.u32 s5, $0x1;
	s5 =	sadd.s32 s21, s3  }
0x9d: {  	[timem:s7], [sflag:s22] =	dma.local [hbm:s5], s20  }
0x9e: {  	_ =	swait.ge [sflag:s22], s20  }
0x9f: {  	s4 =	ssub.s32 $0x0, s20;
	[sflag:s22] =	ssyncset.done $0x0  }
0xa0: {  	[sflag:s22] =	ssyncadd.s32 s4;
	_ =	sdelay $0x1  }
0xa1: {  	s23 =	simm.s32 $0x1B8B  }
0xa2: {  	_ =	swait.ge [sflag:s23], $0x1  }
0xa3: {  	[sflag:s23] =	ssyncset.done $0x0  }
0xa4: {  	s25 =	simm.s32 $0x1B8E;
	s24 =	sld [smem:$0x3FFE];
	[sflag:s23] =	ssyncadd.s32 $0xFFFFFFFF  }
0xa5: {  	s26 =	simm.s32 $execute0_lowered;
	[smem:$0x3FD2] =	sst s25  }
0xa6: {  	s5 =	sshll.u32 s26, $0x1;
	_ =	strace $0x80000046;
	[dreg:$0x1] =	wrdreg $0xFFFFFFFF  }
0xa7: {  	s28 =	simm.s32 $_size_execute0_lowered;
	s3 =	sadd.s32 s3, s5;
	[dreg:$0x0] =	wrdreg $0x0  }
0xa8: {  	s5 =	sshll.u32 s28, $0x1;
	[dreg:$0x2] =	wrdreg s3  }
0xa9: {  	[dreg:$0x3] =	wrdreg s5  }
0xaa: {  	[dreg:$0x4] =	wrdreg $0xC0  }
0xab: {  	_ =	task [dreg:s7], $0x5FFFF  }
0xac: {  	[dreg:$0x1] =	wrdreg $0xFFFFFFFF  }
0xad: {  	[dreg:$0x0] =	wrdreg $0x60  }
0xae: {  	[dreg:$0x2] =	wrdreg s24  }
0xaf: {  	[dreg:$0x3] =	wrdreg s2  }
0xb0: {  	[dreg:$0x4] =	wrdreg $0x9  }
0xb1: {  	_ =	task.clear_ibuf [dreg:s7], $0x5FFFF;
	_ =	strace $0x90000046  }
0xb2: {  	s29 =	simm.s32 $0x9;
	_ =	strace $0x80000048  }
0xb3: {  	_ =	swait.ge [sflag:s29], $0x1  }
0xb4: {  	[sflag:s29] =	ssyncadd.s32 $0xFFFFFFFF  }
0xb5: {  	_ =	strace $0x90000048  }
0xb6: {  	_ =	sfence  }
0xb7: {  	s30 =	sld [smem:$0x0];
	_ =	sdelay $0x2  }
0xb8: {  	s31 =	sshll.u32 s1, $0xD;
	s1 =	sshrl.u32 s1, $0x2  }
0xb9: {  	s3 =	sand.u32 $0x4000, s31;
	s1 =	sadd.s32 s1, s30  }
0xba: {  	s0 =	sor.u32 s3, s0;
	s1 =	sshll.u32 s1, $0x11  }
0xbb: {  	s0 =	sor.u32 s1, s0  }
0xbc: {  	s0 =	sadd.s32 $0x8F2B, s0  }
0xbd: {  	[sflag:s0] =	ssyncadd.remote.s32 $0x1  }
0xbe: {  	_ =	sfence.sel $0xFFFF  }
0xbf: {  	[dreg:$0x0] =	wrdreg $0xFFFFFFFF;
	(pc) =	sbr.abs _section_cstart, $3  }
0xc0: {  	[dreg:$0x1] =	wrdreg $0xFFFFFFFF  }
0xc1: {  	_ =	task.clear_ibuf [dreg:s7], $0x2FFFF;
	_ =	strace $0x9FFFFFFF  }
0xc2: {  	(tm) =	ssettm $0x7FFFFFFF  }
0xc3: {  	_ =	shalt  }
tec
execute0_lowered:
.L_overlay_start_1:
0x0: {  	(tag) =	ssettag $0x1  }
0x1: {  	s0 =	rddreg [dreg:$0x0]  }
0x2: {  	s1 =	srdreg.scid;
	s5 =	stileid.u32  }
0x3: {  	s10 =	rddreg [dreg:$0x1];
	s3 =	simm.s32 $0x0;
	s29 =	simm.s32 $0x10400  }
0x4: {  	s30 =	simm.s32 $0x3;
	s28 =	simm.s32 $0x9;
	s31 =	simm.s32 $0x6  }
0x5: {  	s1 =	sand.u32 $0x1, s1;
	s2 =	sshll.u32 s5, $0x1;
	s5 =	smul.u32 $0xC800, s5  }
0x6: {  	s2 =	sor.u32 s1, s2;
	s6 =	ssub.s32 $0x2, s1;
	s1 =	smul.u32 $0x6400, s1  }
0x7: {  	s11 =	simm.s32 $0xE;
	[smem:$0x7FF] =	sst s3;
	s4 =	smul.u32 $0x6400, s2  }
0x8: {  	_ =	strace $0x80000047;
	s8 =	sshrl.u32 s6, $0x1;
	s9 =	smul.u32 $0x32000, s2  }
0x9: {  	s2 =	smul.u32 $0x190000, s2;
	s12 =	ssub.s32 s6, s8;
	s1 =	sadd.s32 s1, s5  }
0xa: {  	s5 =	simm.s32 $0x7;
	s8 =	simm.s32 $0x8;
	s14 =	sadd.s32 s10, s9  }
0xb: {  	s4 =	sshrl.u32 s4, $0x3;
	s15 =	sadd.s32 $0x400, s14;
	[dreg:$0xc] =	wrdreg s14  }
0xc: {  	s1 =	sshll.u32 s1, $0x3;
	s16 =	sadd.s32 $0x800, s14;
	[dreg:$0xd] =	wrdreg s15  }
0xd: {  	s2 =	sshrl.u32 s2, $0x3;
	s17 =	sor.u32 $0x1C00, s1;
	[dreg:$0xe] =	wrdreg s16  }
0xe: {  	s9 =	simm.s32 $0xC;
	s6 =	sadd.s32 $0xC00, s14;
	[dreg:$0x3] =	wrdreg s17  }
0xf: {  	s7 =	sadd.s32 s4, s0;
	s18 =	sor.u32 $0x1800, s1;
	[dreg:$0xf] =	wrdreg s6  }
0x10: {  	s4 =	sadd.s32 $0x19800, s0;
	s19 =	sor.u32 $0x1400, s1;
	[dreg:$0x4] =	wrdreg s18  }
0x11: {  	s20 =	sor.u32 $0x1000, s1;
	s2 =	sadd.s32 s10, s2;
	[dreg:$0x5] =	wrdreg s19  }
0x12: {  	s21 =	sadd.s32 $0x2C00, s1;
	s23 =	sadd.s32 $0x2800, s1;
	[dreg:$0x6] =	wrdreg s20  }
0x13: {  	s25 =	sadd.s32 $0x2400, s1;
	s1 =	sadd.s32 $0x2000, s1;
	[dreg:$0x7] =	wrdreg s21  }
0x14: {  	s0 =	smax.u32 s12, $0x1;
	s10 =	simm.s32 $0xD;
	[dreg:$0x8] =	wrdreg s23  }
0x15: {  	s12 =	simm.s32 $0xF;
	s13 =	sadd.s32 $0x800, s7;
	[dreg:$0x9] =	wrdreg s25  }
0x16: {  	s22 =	sadd.s32 $0x31000, s2;
	s24 =	sadd.s32 $0x31400, s2;
	[dreg:$0x14] =	wrdreg s0  }
0x17: {  	s26 =	sadd.s32 $0x31800, s2;
	s2 =	sadd.s32 $0x31C00, s2;
	[dreg:$0xa] =	wrdreg s1  }
0x18: {  	s16 =	simm.s32 $0x80;
	s17 =	simm.s32 $0x6400;
	s18 =	simm.s32 $0x8400  }
0x19: {  	s20 =	simm.s32 $0xA400;
	s23 =	simm.s32 $0x1;
	[dreg:$0xb] =	wrdreg s13  }
0x1a: {  	s25 =	simm.s32 $0xE400;
	s1 =	simm.s32 $0x12400;
	[dreg:$0x10] =	wrdreg s22  }
0x1b: {  	s0 =	simm.s32 $0x4;
	s21 =	simm.s32 $0x14400;
	[dreg:$0x11] =	wrdreg s24  }
0x1c: {  	s19 =	simm.s32 $0xA;
	s7 =	simm.s32 $0xB;
	[dreg:$0x12] =	wrdreg s26  }
0x1d: {  	s6 =	simm.s32 $0x0;
	[dreg:$0x13] =	wrdreg s2;
	s22 =	simm.s32 $0xC400  }
0x1e: {  	s26 =	simm.s32 $0x2;
	s24 =	simm.s32 $0x5;
	s13 =	simm.s32 $0x10  }
.LBB2_1:
0x1f: {  	[dreg:$0x15] =	wrdreg s6  }
0x20: {  	s2 =	rddreg [dreg:$0xb];
	s6 =	simm.s32 $0x11  }
0x21: {  	[tilespmem:s3], [sflag:$0x11] =	stream.linear.gather [hbm4b:s2+s3], $0x6400, $0x38;
	[tilespmem:$0x16400] =	vst v63  }
0x22: {  	_ =	swait.ge [sflag:s6], $0x6400  }
0x23: {  	[sflag:s6] =	ssyncset.done $0x0  }
0x24: {  	[sflag:s6] =	ssyncadd.s32 $0xFFFF9C00  }
0x25: {  	[tilespmem:s17], [sflag:$0x1] =	stream.indirect.gather [hbm4b:s4+s16], $0x40, s3, s16, $0xb8;
	[tilespmem:$0x16400] =	vst v63  }
0x26: {  	_ = 	snop  }
0x27: {  	[tilespmem:s18], [sflag:$0x2] =	stream.indirect.gather [hbm4b:s4+s16], $0x40, s16, s16, $0xb8;
	[tilespmem:$0x16400] =	vst v63  }
0x28: {  	s14 =	simm.s32 $0x100  }
0x29: {  	[tilespmem:s20], [sflag:$0x3] =	stream.indirect.gather [hbm4b:s4+s16], $0x40, s14, s16, $0xb8;
	[tilespmem:$0x16400] =	vst v63  }
0x2a: {  	s15 =	simm.s32 $0x180  }
0x2b: {  	[tilespmem:s22], [sflag:$0x4] =	stream.indirect.gather [hbm4b:s4+s16], $0x40, s15, s16, $0xb8;
	[tilespmem:$0x16400] =	vst v63  }
0x2c: {  	_ =	swait.ge [sflag:s23], $0x2000  }
0x2d: {  	[sflag:s23] =	ssyncset.done $0x0  }
0x2e: {  	s6 =	rddreg [dreg:$0xc];
	[sflag:s23] =	ssyncadd.s32 $0xFFFFE000  }
0x2f: {  	[hbm4b:s6+s3] =	stream.linear.scatter [tilespmem:s17], [sflag:$0x9], $0x2000, $0x38;
	[tilespmem:$0x16400] =	vst v63  }
0x30: {  	s14 =	simm.s32 $0x200  }
0x31: {  	[tilespmem:s25], [sflag:$0x5] =	stream.indirect.gather [hbm4b:s4+s16], $0x40, s14, s16, $0xb8;
	[tilespmem:$0x16400] =	vst v63  }
0x32: {  	_ =	swait.ge [sflag:s26], $0x2000  }
0x33: {  	[sflag:s26] =	ssyncset.done $0x0  }
0x34: {  	s15 =	rddreg [dreg:$0xd];
	[sflag:s26] =	ssyncadd.s32 $0xFFFFE000  }
0x35: {  	[hbm4b:s15+s3] =	stream.linear.scatter [tilespmem:s18], [sflag:$0xA], $0x2000, $0x38;
	[tilespmem:$0x16400] =	vst v63  }
0x36: {  	s6 =	simm.s32 $0x280  }
0x37: {  	[tilespmem:s29], [sflag:$0x6] =	stream.indirect.gather [hbm4b:s4+s16], $0x40, s6, s16, $0xb8;
	[tilespmem:$0x16400] =	vst v63  }
0x38: {  	_ =	swait.ge [sflag:s30], $0x2000  }
0x39: {  	[sflag:s30] =	ssyncset.done $0x0  }
0x3a: {  	s14 =	rddreg [dreg:$0xe];
	[sflag:s30] =	ssyncadd.s32 $0xFFFFE000  }
0x3b: {  	[hbm4b:s14+s3] =	stream.linear.scatter [tilespmem:s20], [sflag:$0xB], $0x2000, $0x38;
	[tilespmem:$0x16400] =	vst v63  }
0x3c: {  	s15 =	simm.s32 $0x300  }
0x3d: {  	[tilespmem:s1], [sflag:$0x7] =	stream.indirect.gather [hbm4b:s4+s16], $0x40, s15, s16, $0xb8;
	[tilespmem:$0x16400] =	vst v63  }
0x3e: {  	_ =	swait.ge [sflag:s0], $0x2000  }
0x3f: {  	[sflag:s0] =	ssyncset.done $0x0  }
0x40: {  	s6 =	rddreg [dreg:$0xf];
	[sflag:s0] =	ssyncadd.s32 $0xFFFFE000  }
0x41: {  	[hbm4b:s6+s3] =	stream.linear.scatter [tilespmem:s22], [sflag:$0xC], $0x2000, $0x38;
	[tilespmem:$0x16400] =	vst v63  }
0x42: {  	s14 =	simm.s32 $0x380  }
0x43: {  	[tilespmem:s21], [sflag:$0x8] =	stream.indirect.gather [hbm4b:s4+s16], $0x40, s14, s16, $0xb8;
	[tilespmem:$0x16400] =	vst v63  }
0x44: {  	_ =	swait.ge [sflag:s24], $0x2000  }
0x45: {  	[sflag:s24] =	ssyncset.done $0x0  }
0x46: {  	s15 =	rddreg [dreg:$0x6];
	[sflag:s24] =	ssyncadd.s32 $0xFFFFE000  }
0x47: {  	s14 =	rddreg [dreg:$0x1]  }
0x48: {  	s2 =	sadd.s32 s14, s15  }
0x49: {  	[hbm4b:s2+s3] =	stream.linear.scatter [tilespmem:s25], [sflag:$0xD], $0x2000, $0x38;
	[tilespmem:$0x16400] =	vst v63  }
0x4a: {  	_ =	swait.ge [sflag:s28], $0x2000  }
0x4b: {  	[sflag:s28] =	ssyncset.done $0x0  }
0x4c: {  	s6 =	simm.s32 $0x400;
	[sflag:s28] =	ssyncadd.s32 $0xFFFFE000  }
0x4d: {  	[tilespmem:s17], [sflag:$0x1] =	stream.indirect.gather [hbm4b:s4+s16], $0x40, s6, s16, $0xb8;
	[tilespmem:$0x16400] =	vst v63  }
0x4e: {  	_ =	swait.ge [sflag:s31], $0x2000  }
0x4f: {  	s15 =	rddreg [dreg:$0x5];
	[sflag:s31] =	ssyncset.done $0x0  }
0x50: {  	[sflag:s31] =	ssyncadd.s32 $0xFFFFE000;
	s2 =	sadd.s32 s14, s15  }
0x51: {  	[hbm4b:s2+s3] =	stream.linear.scatter [tilespmem:s29], [sflag:$0xE], $0x2000, $0x38;
	[tilespmem:$0x16400] =	vst v63  }
0x52: {  	_ =	swait.ge [sflag:s19], $0x2000  }
0x53: {  	[sflag:s19] =	ssyncset.done $0x0  }
0x54: {  	s6 =	simm.s32 $0x480;
	[sflag:s19] =	ssyncadd.s32 $0xFFFFE000  }
0x55: {  	[tilespmem:s18], [sflag:$0x2] =	stream.indirect.gather [hbm4b:s4+s16], $0x40, s6, s16, $0xb8;
	[tilespmem:$0x16400] =	vst v63  }
0x56: {  	_ =	swait.ge [sflag:s5], $0x2000  }
0x57: {  	s15 =	rddreg [dreg:$0x4];
	[sflag:s5] =	ssyncset.done $0x0  }
0x58: {  	[sflag:s5] =	ssyncadd.s32 $0xFFFFE000;
	s2 =	sadd.s32 s14, s15  }
0x59: {  	[hbm4b:s2+s3] =	stream.linear.scatter [tilespmem:s1], [sflag:$0xF], $0x2000, $0x38;
	[tilespmem:$0x16400] =	vst v63  }
0x5a: {  	_ =	swait.ge [sflag:s7], $0x2000  }
0x5b: {  	[sflag:s7] =	ssyncset.done $0x0  }
0x5c: {  	s6 =	simm.s32 $0x500;
	[sflag:s7] =	ssyncadd.s32 $0xFFFFE000  }
0x5d: {  	[tilespmem:s20], [sflag:$0x3] =	stream.indirect.gather [hbm4b:s4+s16], $0x40, s6, s16, $0xb8;
	[tilespmem:$0x16400] =	vst v63  }
0x5e: {  	_ =	swait.ge [sflag:s8], $0x2000  }
0x5f: {  	s15 =	rddreg [dreg:$0x3];
	[sflag:s8] =	ssyncset.done $0x0  }
0x60: {  	[sflag:s8] =	ssyncadd.s32 $0xFFFFE000;
	s2 =	sadd.s32 s14, s15  }
0x61: {  	[hbm4b:s2+s3] =	stream.linear.scatter [tilespmem:s21], [sflag:$0x10], $0x2000, $0x38;
	[tilespmem:$0x16400] =	vst v63  }
0x62: {  	_ =	swait.ge [sflag:s9], $0x2000  }
0x63: {  	[sflag:s9] =	ssyncset.done $0x0  }
0x64: {  	s6 =	simm.s32 $0x580;
	[sflag:s9] =	ssyncadd.s32 $0xFFFFE000  }
0x65: {  	[tilespmem:s22], [sflag:$0x4] =	stream.indirect.gather [hbm4b:s4+s16], $0x40, s6, s16, $0xb8;
	[tilespmem:$0x16400] =	vst v63  }
0x66: {  	_ =	swait.ge [sflag:s23], $0x2000  }
0x67: {  	s15 =	rddreg [dreg:$0xa];
	[sflag:s23] =	ssyncset.done $0x0  }
0x68: {  	[sflag:s23] =	ssyncadd.s32 $0xFFFFE000;
	s2 =	sadd.s32 s14, s15  }
0x69: {  	[hbm4b:s2+s3] =	stream.linear.scatter [tilespmem:s17], [sflag:$0x9], $0x2000, $0x38;
	[tilespmem:$0x16400] =	vst v63  }
0x6a: {  	_ =	swait.ge [sflag:s10], $0x2000  }
0x6b: {  	[sflag:s10] =	ssyncset.done $0x0  }
0x6c: {  	s6 =	simm.s32 $0x600;
	[sflag:s10] =	ssyncadd.s32 $0xFFFFE000  }
0x6d: {  	[tilespmem:s25], [sflag:$0x5] =	stream.indirect.gather [hbm4b:s4+s16], $0x40, s6, s16, $0xb8;
	[tilespmem:$0x16400] =	vst v63  }
0x6e: {  	_ =	swait.ge [sflag:s26], $0x2000  }
0x6f: {  	s15 =	rddreg [dreg:$0x9];
	[sflag:s26] =	ssyncset.done $0x0  }
0x70: {  	[sflag:s26] =	ssyncadd.s32 $0xFFFFE000;
	s2 =	sadd.s32 s14, s15  }
0x71: {  	[hbm4b:s2+s3] =	stream.linear.scatter [tilespmem:s18], [sflag:$0xA], $0x2000, $0x38;
	[tilespmem:$0x16400] =	vst v63  }
0x72: {  	_ =	swait.ge [sflag:s11], $0x2000  }
0x73: {  	[sflag:s11] =	ssyncset.done $0x0  }
0x74: {  	s6 =	simm.s32 $0x680;
	[sflag:s11] =	ssyncadd.s32 $0xFFFFE000  }
0x75: {  	[tilespmem:s29], [sflag:$0x6] =	stream.indirect.gather [hbm4b:s4+s16], $0x40, s6, s16, $0xb8;
	[tilespmem:$0x16400] =	vst v63  }
0x76: {  	_ =	swait.ge [sflag:s30], $0x2000  }
0x77: {  	s15 =	rddreg [dreg:$0x8];
	[sflag:s30] =	ssyncset.done $0x0  }
0x78: {  	[sflag:s30] =	ssyncadd.s32 $0xFFFFE000;
	s2 =	sadd.s32 s14, s15  }
0x79: {  	[hbm4b:s2+s3] =	stream.linear.scatter [tilespmem:s20], [sflag:$0xB], $0x2000, $0x38;
	[tilespmem:$0x16400] =	vst v63  }
0x7a: {  	_ =	swait.ge [sflag:s12], $0x2000  }
0x7b: {  	[sflag:s12] =	ssyncset.done $0x0  }
0x7c: {  	s6 =	simm.s32 $0x700;
	[sflag:s12] =	ssyncadd.s32 $0xFFFFE000  }
0x7d: {  	[tilespmem:s1], [sflag:$0x7] =	stream.indirect.gather [hbm4b:s4+s16], $0x40, s6, s16, $0xb8;
	[tilespmem:$0x16400] =	vst v63  }
0x7e: {  	_ =	swait.ge [sflag:s0], $0x2000  }
0x7f: {  	s15 =	rddreg [dreg:$0x7];
	[sflag:s0] =	ssyncset.done $0x0  }
0x80: {  	[sflag:s0] =	ssyncadd.s32 $0xFFFFE000;
	s2 =	sadd.s32 s14, s15  }
0x81: {  	[hbm4b:s2+s3] =	stream.linear.scatter [tilespmem:s22], [sflag:$0xC], $0x2000, $0x38;
	[tilespmem:$0x16400] =	vst v63  }
0x82: {  	_ =	swait.ge [sflag:s13], $0x2000  }
0x83: {  	s6 =	simm.s32 $0x1000;
	[sflag:s13] =	ssyncset.done $0x0  }
0x84: {  	s15 =	sadd.s32 $0x2000, s14;
	s2 =	simm.s32 $0x780;
	[sflag:s13] =	ssyncadd.s32 $0xFFFFE000  }
.LBB2_2:
0x85: {  	[tilespmem:s21], [sflag:$0x8] =	stream.indirect.gather [hbm4b:s4+s16], $0x40, s2, s16, $0xb8;
	[tilespmem:$0x16400] =	vst v63  }
0x86: {  	_ =	swait.ge [sflag:s24], $0x2000  }
0x87: {  	s14 =	rddreg [dreg:$0x6];
	[sflag:s24] =	ssyncset.done $0x0  }
0x88: {  	[sflag:s24] =	ssyncadd.s32 $0xFFFFE000;
	s14 =	sadd.s32 s15, s14  }
0x89: {  	[hbm4b:s14+s3] =	stream.linear.scatter [tilespmem:s25], [sflag:$0xD], $0x2000, $0x38;
	[tilespmem:$0x16400] =	vst v63  }
0x8a: {  	s2 =	smov.u32 s6;
	_ =	swait.ge [sflag:s28], $0x2000  }
0x8b: {  	s2 =	sshra.s32 s2, $0x2;
	[sflag:s28] =	ssyncset.done $0x0  }
0x8c: {  	s14 =	sadd.s32 $0x400, s2;
	[sflag:s28] =	ssyncadd.s32 $0xFFFFE000  }
0x8d: {  	[tilespmem:s17], [sflag:$0x1] =	stream.indirect.gather [hbm4b:s4+s16], $0x40, s14, s16, $0xb8;
	[tilespmem:$0x16400] =	vst v63  }
0x8e: {  	_ =	swait.ge [sflag:s31], $0x2000  }
0x8f: {  	s14 =	rddreg [dreg:$0x5];
	[sflag:s31] =	ssyncset.done $0x0  }
0x90: {  	[sflag:s31] =	ssyncadd.s32 $0xFFFFE000;
	s14 =	sadd.s32 s15, s14  }
0x91: {  	[hbm4b:s14+s3] =	stream.linear.scatter [tilespmem:s29], [sflag:$0xE], $0x2000, $0x38;
	[tilespmem:$0x16400] =	vst v63  }
0x92: {  	_ =	swait.ge [sflag:s19], $0x2000  }
0x93: {  	[sflag:s19] =	ssyncset.done $0x0  }
0x94: {  	s14 =	sadd.s32 $0x480, s2;
	[sflag:s19] =	ssyncadd.s32 $0xFFFFE000  }
0x95: {  	[tilespmem:s18], [sflag:$0x2] =	stream.indirect.gather [hbm4b:s4+s16], $0x40, s14, s16, $0xb8;
	[tilespmem:$0x16400] =	vst v63  }
0x96: {  	_ =	swait.ge [sflag:s5], $0x2000  }
0x97: {  	s14 =	rddreg [dreg:$0x4];
	[sflag:s5] =	ssyncset.done $0x0  }
0x98: {  	[sflag:s5] =	ssyncadd.s32 $0xFFFFE000;
	s14 =	sadd.s32 s15, s14  }
0x99: {  	[hbm4b:s14+s3] =	stream.linear.scatter [tilespmem:s1], [sflag:$0xF], $0x2000, $0x38;
	[tilespmem:$0x16400] =	vst v63  }
0x9a: {  	_ =	swait.ge [sflag:s7], $0x2000  }
0x9b: {  	[sflag:s7] =	ssyncset.done $0x0  }
0x9c: {  	s14 =	sadd.s32 $0x500, s2;
	[sflag:s7] =	ssyncadd.s32 $0xFFFFE000  }
0x9d: {  	[tilespmem:s20], [sflag:$0x3] =	stream.indirect.gather [hbm4b:s4+s16], $0x40, s14, s16, $0xb8;
	[tilespmem:$0x16400] =	vst v63  }
0x9e: {  	_ =	swait.ge [sflag:s8], $0x2000  }
0x9f: {  	s14 =	rddreg [dreg:$0x3];
	[sflag:s8] =	ssyncset.done $0x0  }
0xa0: {  	[sflag:s8] =	ssyncadd.s32 $0xFFFFE000;
	s14 =	sadd.s32 s15, s14  }
0xa1: {  	[hbm4b:s14+s3] =	stream.linear.scatter [tilespmem:s21], [sflag:$0x10], $0x2000, $0x38;
	[tilespmem:$0x16400] =	vst v63  }
0xa2: {  	_ =	swait.ge [sflag:s9], $0x2000  }
0xa3: {  	[sflag:s9] =	ssyncset.done $0x0  }
0xa4: {  	s14 =	sadd.s32 $0x580, s2;
	[sflag:s9] =	ssyncadd.s32 $0xFFFFE000  }
0xa5: {  	[tilespmem:s22], [sflag:$0x4] =	stream.indirect.gather [hbm4b:s4+s16], $0x40, s14, s16, $0xb8;
	[tilespmem:$0x16400] =	vst v63  }
0xa6: {  	_ =	swait.ge [sflag:s23], $0x2000  }
0xa7: {  	s14 =	rddreg [dreg:$0xa];
	[sflag:s23] =	ssyncset.done $0x0  }
0xa8: {  	[sflag:s23] =	ssyncadd.s32 $0xFFFFE000;
	s14 =	sadd.s32 s15, s14  }
0xa9: {  	[hbm4b:s14+s3] =	stream.linear.scatter [tilespmem:s17], [sflag:$0x9], $0x2000, $0x38;
	[tilespmem:$0x16400] =	vst v63  }
0xaa: {  	_ =	swait.ge [sflag:s10], $0x2000  }
0xab: {  	[sflag:s10] =	ssyncset.done $0x0  }
0xac: {  	s14 =	sadd.s32 $0x600, s2;
	[sflag:s10] =	ssyncadd.s32 $0xFFFFE000  }
0xad: {  	[tilespmem:s25], [sflag:$0x5] =	stream.indirect.gather [hbm4b:s4+s16], $0x40, s14, s16, $0xb8;
	[tilespmem:$0x16400] =	vst v63  }
0xae: {  	_ =	swait.ge [sflag:s26], $0x2000  }
0xaf: {  	s14 =	rddreg [dreg:$0x9];
	[sflag:s26] =	ssyncset.done $0x0  }
0xb0: {  	[sflag:s26] =	ssyncadd.s32 $0xFFFFE000;
	s14 =	sadd.s32 s15, s14  }
0xb1: {  	[hbm4b:s14+s3] =	stream.linear.scatter [tilespmem:s18], [sflag:$0xA], $0x2000, $0x38;
	[tilespmem:$0x16400] =	vst v63  }
0xb2: {  	_ =	swait.ge [sflag:s11], $0x2000  }
0xb3: {  	[sflag:s11] =	ssyncset.done $0x0  }
0xb4: {  	s14 =	sadd.s32 $0x680, s2;
	[sflag:s11] =	ssyncadd.s32 $0xFFFFE000  }
0xb5: {  	[tilespmem:s29], [sflag:$0x6] =	stream.indirect.gather [hbm4b:s4+s16], $0x40, s14, s16, $0xb8;
	[tilespmem:$0x16400] =	vst v63  }
0xb6: {  	_ =	swait.ge [sflag:s30], $0x2000  }
0xb7: {  	s14 =	rddreg [dreg:$0x8];
	[sflag:s30] =	ssyncset.done $0x0  }
0xb8: {  	[sflag:s30] =	ssyncadd.s32 $0xFFFFE000;
	s14 =	sadd.s32 s15, s14  }
0xb9: {  	[hbm4b:s14+s3] =	stream.linear.scatter [tilespmem:s20], [sflag:$0xB], $0x2000, $0x38;
	[tilespmem:$0x16400] =	vst v63  }
0xba: {  	_ =	swait.ge [sflag:s12], $0x2000  }
0xbb: {  	[sflag:s12] =	ssyncset.done $0x0  }
0xbc: {  	s14 =	sadd.s32 $0x700, s2;
	[sflag:s12] =	ssyncadd.s32 $0xFFFFE000  }
0xbd: {  	[tilespmem:s1], [sflag:$0x7] =	stream.indirect.gather [hbm4b:s4+s16], $0x40, s14, s16, $0xb8;
	[tilespmem:$0x16400] =	vst v63  }
0xbe: {  	_ =	swait.ge [sflag:s0], $0x2000  }
0xbf: {  	p0 =	sne.s32 s6, $0x17000;
	s14 =	rddreg [dreg:$0x7];
	[sflag:s0] =	ssyncset.done $0x0  }
.Ltmp0:
0xc0: {  	[sflag:s0] =	ssyncadd.s32 $0xFFFFE000;
	s14 =	sadd.s32 s15, s14;
	(pc) =	sbr.rel @p0 .LBB2_2-.Ltmp0, $4  }
0xc1: {  	[hbm4b:s14+s3] =	stream.linear.scatter [tilespmem:s22], [sflag:$0xC], $0x2000, $0x38;
	[tilespmem:$0x16400] =	vst v63  }
0xc2: {  	_ =	swait.ge [sflag:s13], $0x2000  }
0xc3: {  	s6 =	sadd.s32 $0x1000, s6;
	[sflag:s13] =	ssyncset.done $0x0  }
0xc4: {  	s2 =	sadd.s32 $0x780, s2;
	s15 =	sadd.s32 $0x2000, s15;
	[sflag:s13] =	ssyncadd.s32 $0xFFFFE000  }
0xc5: {  	[tilespmem:s21], [sflag:$0x8] =	stream.indirect.gather [hbm4b:s4+s16], $0x40, s2, s16, $0xb8;
	[tilespmem:$0x16400] =	vst v63  }
0xc6: {  	_ =	swait.ge [sflag:s24], $0x2000  }
0xc7: {  	[sflag:s24] =	ssyncset.done $0x0  }
0xc8: {  	s14 =	rddreg [dreg:$0x10];
	[sflag:s24] =	ssyncadd.s32 $0xFFFFE000  }
0xc9: {  	[hbm4b:s14+s3] =	stream.linear.scatter [tilespmem:s25], [sflag:$0xD], $0x2000, $0x38;
	[tilespmem:$0x16400] =	vst v63  }
0xca: {  	_ =	swait.ge [sflag:s31], $0x2000  }
0xcb: {  	[sflag:s31] =	ssyncset.done $0x0  }
0xcc: {  	s15 =	rddreg [dreg:$0x11];
	[sflag:s31] =	ssyncadd.s32 $0xFFFFE000  }
0xcd: {  	[hbm4b:s15+s3] =	stream.linear.scatter [tilespmem:s29], [sflag:$0xE], $0x2000, $0x38;
	[tilespmem:$0x16400] =	vst v63  }
0xce: {  	_ =	swait.ge [sflag:s5], $0x2000  }
0xcf: {  	[sflag:s5] =	ssyncset.done $0x0  }
0xd0: {  	s6 =	rddreg [dreg:$0x12];
	[sflag:s5] =	ssyncadd.s32 $0xFFFFE000  }
0xd1: {  	[hbm4b:s6+s3] =	stream.linear.scatter [tilespmem:s1], [sflag:$0xF], $0x2000, $0x38;
	[tilespmem:$0x16400] =	vst v63  }
0xd2: {  	_ =	swait.ge [sflag:s8], $0x2000  }
0xd3: {  	[sflag:s8] =	ssyncset.done $0x0  }
0xd4: {  	s14 =	rddreg [dreg:$0x13];
	[sflag:s8] =	ssyncadd.s32 $0xFFFFE000  }
0xd5: {  	[hbm4b:s14+s3] =	stream.linear.scatter [tilespmem:s21], [sflag:$0x10], $0x2000, $0x38;
	[tilespmem:$0x16400] =	vst v63  }
0xd6: {  	_ =	swait.ge [sflag:s28], $0x2000  }
0xd7: {  	[sflag:s28] =	ssyncset.done $0x0  }
0xd8: {  	[sflag:s28] =	ssyncadd.s32 $0xFFFFE000  }
0xd9: {  	_ =	swait.ge [sflag:s19], $0x2000  }
0xda: {  	[sflag:s19] =	ssyncset.done $0x0  }
0xdb: {  	[sflag:s19] =	ssyncadd.s32 $0xFFFFE000  }
0xdc: {  	_ =	swait.ge [sflag:s7], $0x2000  }
0xdd: {  	[sflag:s7] =	ssyncset.done $0x0  }
0xde: {  	[sflag:s7] =	ssyncadd.s32 $0xFFFFE000  }
0xdf: {  	_ =	swait.ge [sflag:s9], $0x2000  }
0xe0: {  	[sflag:s9] =	ssyncset.done $0x0  }
0xe1: {  	[sflag:s9] =	ssyncadd.s32 $0xFFFFE000  }
0xe2: {  	_ =	swait.ge [sflag:s10], $0x2000  }
0xe3: {  	[sflag:s10] =	ssyncset.done $0x0  }
0xe4: {  	[sflag:s10] =	ssyncadd.s32 $0xFFFFE000  }
0xe5: {  	_ =	swait.ge [sflag:s11], $0x2000  }
0xe6: {  	[sflag:s11] =	ssyncset.done $0x0  }
0xe7: {  	[sflag:s11] =	ssyncadd.s32 $0xFFFFE000  }
0xe8: {  	_ =	swait.ge [sflag:s12], $0x2000  }
0xe9: {  	[sflag:s12] =	ssyncset.done $0x0  }
0xea: {  	[sflag:s12] =	ssyncadd.s32 $0xFFFFE000  }
0xeb: {  	_ =	swait.ge [sflag:s13], $0x2000  }
0xec: {  	s6 =	rddreg [dreg:$0x15]  }
0xed: {  	s15 =	rddreg [dreg:$0x14];
	s6 =	sadd.s32 $0x1, s6  }
0xee: {  	p0 =	sne.s32 s6, s15  }
.Ltmp1:
0xef: {  	_ = 	snop;
	(pc) =	sbr.rel @p0 .LBB2_1-.Ltmp1, $3  }
0xf0: {  	_ =	sdelay $0x1  }
0xf1: {  	[sflag:s13] =	ssyncset.done $0x0  }
0xf2: {  	[sflag:s13] =	ssyncadd.s32 $0xFFFFE000  }
0xf3: {  	_ =	sfence.sel $0x180000  }
0xf4: {  	[bflag:$0x0] =	sbarrier.arrive $0xFFFF  }
0xf5: {  	_ =	strace $0x90000047  }
0xf6: {  	s0 =	stileid.u32;
	[bflag:$0x2] =	sbarrier.arrive $0xFFFF  }
0xf7: {  	p0 =	sne.s32 s0, $0x0;
	s0 =	rddreg [dreg:$0x2]  }
0xf8: {  	s0 =	sadd.s32 @!p0 $0x100000, s0  }
0xf9: {  	[sflag:s0] =	ssyncadd.tile.s32 @!p0 $0x1;
	_ =	shalt  }
.Lfunc_end2:
_tile_overlayer_lowered:
.L_overlay_start_2:
0xfa: {  	(tag) =	ssettag $0x2  }
0xfb: {  	s0 =	rddreg [dreg:$0x0];
	s2 =	stileid.u32  }
0xfc: {  	s1 =	rddreg [dreg:$0x1];
	p0 =	sne.s32 s2, $0x0  }
0xfd: {  	s3 =	rddreg [dreg:$0x2];
	[bflag:$0x3] =	sbarrier.arrive $0xFFFF;
	s2 =	simm.s32 @!p0 $0x1C11  }
0xfe: {  	[timem:s3], [sflag:s2] =	dma.local @!p0 [hbm:s0], s1  }
0xff: {  	s0 =	simm.s32 @!p0 $0x11  }
0x100: {  	_ =	swait.ge @!p0 [sflag:s0], s1  }
0x101: {  	s1 =	ssub.s32 @!p0 $0x0, s1;
	[sflag:s0] =	ssyncset.done @!p0 $0x0  }
0x102: {  	[sflag:s0] =	ssyncadd.s32 @!p0 s1  }
0x103: {  	[bflag:$0x3] =	sbarrier.arrive $0xFFFF  }
0x104: {  	_ =	shalt  }

// kernel: sparse-core-data-format-call.cloned.1.call-start
scs
called_computation_lowered:
.L_overlay_start_0:
0x0: {  	s2 =	sld [smem:$0x3FD9]  }
0x1: {  	s3 =	sld [smem:$0x3FFE];
	_ =	sdelay $0x1  }
0x2: {  	s1 =	srdreg.scid  }
0x3: {  	s0 =	sand.u32 $0x1, s1  }
0x4: {  	s18 =	sshll.u32 s0, $0xA;
	s2 =	sadd.s32 s3, s2  }
0x5: {  	s2 =	sadd.s32 s2, s18  }
0x6: {  	[smem:$0x3FC6] =	sst s2  }
0x7: {  	_ = 	snop  }
0x8: {  	s2 =	sld [smem:$0x3FD0];
	(tm) =	ssettm $0x1  }
0x9: {  	s19 =	sld [smem:$0x3FFB];
	_ =	sdelay $0x3  }
0xa: {  	_ =	strace s19  }
0xb: {  	s3 =	sld [smem:$0x3FFC];
	_ =	sdelay $0x3  }
0xc: {  	_ =	strace s3  }
0xd: {  	s3 =	sld [smem:$0x3FFD];
	_ =	sdelay $0x3  }
0xe: {  	_ =	strace s3  }
0xf: {  	_ =	strace $0x8FFFFFFF  }
0x10: {  	s20 =	sld [smem:$0x3FDB];
	_ =	sdelay $0x1  }
0x11: {  	s4 =	simm.s32 $_scs_section_size  }
0x12: {  	s5 =	simm.s32 $_size__tile_overlayer_lowered;
	s6 =	simm.s32 $_tile_overlayer_lowered  }
0x13: {  	s23 =	simm.s32 $0x1BFF;
	s22 =	sshll.u32 s6, $0x1;
	s3 =	sadd.s32 s4, s20  }
0x14: {  	s7 =	simm.s32 $0x0;
	s21 =	sshll.u32 s5, $0x1;
	s5 =	sadd.s32 s22, s3  }
0x15: {  	[timem:s7], [sflag:s23] =	dma.local [hbm:s5], s21  }
0x16: {  	_ =	swait.ge [sflag:s23], s21  }
0x17: {  	s4 =	ssub.s32 $0x0, s21;
	[sflag:s23] =	ssyncset.done $0x0  }
0x18: {  	[sflag:s23] =	ssyncadd.s32 s4;
	_ =	sdelay $0x1  }
0x19: {  	s24 =	simm.s32 $0x1B8B  }
0x1a: {  	_ =	swait.ge [sflag:s24], $0x1  }
0x1b: {  	[sflag:s24] =	ssyncset.done $0x0  }
0x1c: {  	s26 =	simm.s32 $0x1B8E;
	s25 =	sld [smem:$0x3FFE];
	[sflag:s24] =	ssyncadd.s32 $0xFFFFFFFF  }
0x1d: {  	s27 =	simm.s32 $execute0_lowered;
	[smem:$0x3FD2] =	sst s26  }
0x1e: {  	s5 =	sshll.u32 s27, $0x1;
	_ =	strace $0x80000049;
	[dreg:$0x1] =	wrdreg $0xFFFFFFFF  }
0x1f: {  	s28 =	simm.s32 $_size_execute0_lowered;
	s3 =	sadd.s32 s3, s5;
	[dreg:$0x0] =	wrdreg $0x0  }
0x20: {  	s5 =	sshll.u32 s28, $0x1;
	[dreg:$0x2] =	wrdreg s3  }
0x21: {  	[dreg:$0x3] =	wrdreg s5  }
0x22: {  	[dreg:$0x4] =	wrdreg $0xC0  }
0x23: {  	_ =	task [dreg:s7], $0x5FFFF  }
0x24: {  	[dreg:$0x1] =	wrdreg $0xFFFFFFFF  }
0x25: {  	[dreg:$0x0] =	wrdreg $0x60  }
0x26: {  	[dreg:$0x2] =	wrdreg s25  }
0x27: {  	[dreg:$0x3] =	wrdreg s2  }
0x28: {  	[dreg:$0x4] =	wrdreg $0x9  }
0x29: {  	_ =	task.clear_ibuf [dreg:s7], $0x5FFFF;
	_ =	strace $0x90000049  }
0x2a: {  	s29 =	simm.s32 $0x9;
	_ =	strace $0x8000004B  }
0x2b: {  	_ =	swait.ge [sflag:s29], $0x1  }
0x2c: {  	[sflag:s29] =	ssyncadd.s32 $0xFFFFFFFF  }
0x2d: {  	_ =	strace $0x9000004B  }
0x2e: {  	_ =	sfence  }
0x2f: {  	s30 =	sld [smem:$0x0];
	_ =	sdelay $0x2  }
0x30: {  	s31 =	sshll.u32 s1, $0xD;
	s1 =	sshrl.u32 s1, $0x2  }
0x31: {  	s3 =	sand.u32 $0x4000, s31;
	s1 =	sadd.s32 s1, s30  }
0x32: {  	s0 =	sor.u32 s3, s0;
	s1 =	sshll.u32 s1, $0x11  }
0x33: {  	s0 =	sor.u32 s1, s0  }
0x34: {  	s0 =	sadd.s32 $0x8F2B, s0  }
0x35: {  	[sflag:s0] =	ssyncadd.remote.s32 $0x1  }
0x36: {  	_ =	sfence.sel $0xFFFF  }
0x37: {  	[dreg:$0x0] =	wrdreg $0xFFFFFFFF;
	(pc) =	sbr.abs _section_cstart, $3  }
0x38: {  	[dreg:$0x1] =	wrdreg $0xFFFFFFFF  }
0x39: {  	_ =	task.clear_ibuf [dreg:s7], $0x2FFFF;
	_ =	strace $0x9FFFFFFF  }
0x3a: {  	(tm) =	ssettm $0x7FFFFFFF  }
0x3b: {  	_ =	shalt  }
tec
execute0_lowered:
.L_overlay_start_1:
0x0: {  	(tag) =	ssettag $0x1  }
0x1: {  	s0 =	srdreg.scid  }
0x2: {  	s1 =	sshll.u32 s0, $0x4  }
0x3: {  	s0 =	stileid.u32;
	s1 =	sand.u32 $0x10, s1  }
0x4: {  	s1 =	sor.u32 s0, s1  }
0x5: {  	s6 =	rddreg [dreg:$0x0];
	s4 =	simm.s32 $0x1;
	s2 =	sshll.u32 s1, $0x7  }
0x6: {  	s7 =	simm.s32 $0x2;
	s12 =	simm.s32 $0x0;
	s1 =	ssub.s32 $0x1000, s2  }
0x7: {  	s8 =	simm.s32 $0x8000;
	s13 =	simm.s32 $0x0;
	s3 =	sand.u32 $0xF80, s1  }
0x8: {  	s9 =	simm.s32 $0x0;
	s5 =	sshrl.u32 s1, $0xC;
	p0 =	sne.s32 s3, $0x0  }
.Ltmp0:
0x9: {  	s1 =	rddreg [dreg:$0x2];
	s4 =	simm.s32 @!p0 $0x0;
	(pc) =	sbr.rel .LBB1_1-.Ltmp0, $4  }
0xa: {  	s11 =	simm.s32 $0x0;
	s3 =	rddreg [dreg:$0x1];
	s5 =	sadd.s32 s4, s5  }
0xb: {  	_ =	strace $0x8000004A;
	s4 =	simm.s32 $0x1;
	s5 =	smul.u32 $0xC8, s5  }
0xc: {  	s6 =	sadd.s32 $0x800, s6;
	s10 =	smov.u32 s2;
	[sflag:s4] =	ssyncpa.u1 $0x0  }
0xd: {  	p0 =	por $0x0, $0x0;
	[sflag:s7] =	ssyncpa.u1 $0x0;
	s7 =	sor.u32 $0x1, s5  }
.LBB1_4:
0xe: {  	s16 =	sshll.u32 s13, $0x3;
	s17 =	sand.u32 $0x78, s13  }
0xf: {  	s30 =	sand.u32 $0x7E00, s13;
	s12 =	sshll.u32 s12, $0xF;
	s16 =	sand.u32 $0xC00, s16  }
0x10: {  	[tilespmem:s15+$0x810 ss:$0x81] =	vst.msk $0xffff, v2;
	s31 =	sand.u32 $0x7, s13;
	s16 =	sor.u32 s17, s16;
	s17 =	sadd.s32 s3, s30  }
0x11: {  	[tilespmem:s15+$0x1020 ss:$0x81] =	vst.msk $0xffff, v0;
	s13 =	sshll.u32 s31, $0x12;
	s12 =	sadd.s32 s12, s17;
	s16 =	sshrl.u32 s16, $0x3  }
0x12: {  	[tilespmem:s15+$0x0 ss:$0x81] =	vst.msk $0xffff, v1;
	s13 =	sor.u32 $0x400, s13;
	s12 =	sadd.s32 s16, s12  }
0x13: {  	[hbm4b:s12+s13] =	stream.strided.scatter [tilespmem:s14], [sflag:$0x2], $0x2000, s8, s13, $0x20;
	[tilespmem:$0x8080] =	vst v63  }
.LBB1_5:
0x14: {  	s14 =	sadd.s32 $0x1, s9  }
0x15: {  	s12 =	sadd.s32 $0x1000, s10;
	s16 =	smov.u32 s10;
	p2 =	sgt.s32 s14, $0xC7  }
0x16: {  	s16 =	smov.u32 @p2 s12  }
0x17: {  	s14 =	simm.s32 @p2 $0x0;
	p2 =	sgt.s32 s16, $0xFFF  }
0x18: {  	s16 =	smov.u32 @p2 s2;
	p2 =	sne.s32 s11, s7  }
.Ltmp1:
0x19: {  	p1 =	slt.u32 s11, $0x2;
	(pc) =	sbr.rel @!p2 .LBB1_6-.Ltmp1, $4  }
0x1a: {  	s15 =	simm.s32 @!p1 $0x2  }
0x1b: {  	s13 =	smov.u32 s10;
	p0 =	por !p0, !p0;
	_ =	swait.ge @!p1 [sflag:s15], $0x2000  }
0x1c: {  	s12 =	smov.u32 s9;
	[sflag:s15] =	ssyncset.done @!p1 $0x0;
	s9 =	smov.u32 s14  }
0x1d: {  	s11 =	sadd.s32 $0x1, s11;
	[sflag:s15] =	ssyncadd.s32 @!p1 $0xFFFFE000;
	s10 =	smov.u32 s16  }
.LBB1_1:
0x1e: {  	p1 =	sge.u32 s11, s5  }
0x1f: {  	s14 =	sand.u32 @!p1 $0x1FFFFFF, s9  }
0x20: {  	s15 =	smulhi.u32 @!p1 $0x147AE15, s14;
	_ =	sdelay $0x1  }
0x21: {  	s15 =	smul.u32 @!p1 $0xC8, s15  }
0x22: {  	s16 =	sxor.u32 @!p1 $0xFFFFFFFF, s11;
	s17 =	smul.u32 @!p1 $0xC80, s10  }
0x23: {  	s31 =	sadd.s32 $0xFFFFFFFF, s11;
	s16 =	sshll.u32 @!p1 s16, $0xD;
	s14 =	ssub.s32 @!p1 s14, s15  }
0x24: {  	s15 =	sand.u32 @!p1 $0x2000, s16;
	s16 =	sadd.s32 @!p1 s6, s17;
	s14 =	sshll.u32 @!p1 s14, $0x4  }
0x25: {  	s17 =	simm.s32 @!p1 $0x6400;
	s14 =	sadd.s32 @!p1 s14, s16;
	s16 =	simm.s32 @!p1 $0x40  }
0x26: {  	[tilespmem:s15], [sflag:$0x1] =	stream.strided.gather @!p1 [hbm4b:s14+s16], $0x2000, s17, s16, $0x38;
	[tilespmem:$0x8080] =	vst v63  }
0x27: {  	p1 =	sge.u32 s31, s5  }
.Ltmp2:
0x28: {  	_ = 	snop;
	(pc) =	sbr.rel @p1 .LBB1_5-.Ltmp2, $1  }
0x29: {  	_ =	sdelay $0x3  }
0x2a: {  	s14 =	simm.s32 $0x1  }
0x2b: {  	_ =	swait.ge [sflag:s4], $0x2000;
	s14 =	simm.s32 @!p0 $0x0  }
0x2c: {  	[sflag:s4] =	ssyncset.done $0x0;
	s15 =	sshll.u32 s14, $0xD  }
0x2d: {  	[sflag:s4] =	ssyncadd.s32 $0xFFFFE000;
	s18 =	sor.u32 $0x20, s15  }
0x2e: {  	s14 =	smul.u32 $0x8100, s14;
	v3 =	vld [tilespmem:s18+$0x10]  }
0x2f: {  	s30 =	sand.u32 $0x1, s11;
	v2 =	vld [tilespmem:s18+$0xFFFFFFF0]  }
0x30: {  	s15 =	smul.u32 $0x8100, s30;
	s14 =	sshrl.u32 s14, $0x2;
	v0 =	vld [tilespmem:s18+$0x0]  }
0x31: {  	v1 =	vld [tilespmem:s18+$0xFFFFFFE0];
	s16 =	sor.u32 $0x4000, s14  }
0x32: {  	s31 =	sshrl.u32 s15, $0x2;
	s15 =	sadd.s32 $0x0, s16  }
0x33: {  	s17 =	simm.s32 $0x4;
	s18 =	sadd.s32 $0x40, s18;
	s14 =	sor.u32 $0x4000, s31;
	[tilespmem:s15+$0x1830 ss:$0x81] =	vst.msk $0xffff, v3  }
.LBB1_3:
0x34: {  	v3 =	vld [tilespmem:s18+$0x10];
	p1 =	sne.s32 s17, $0x1FC;
	[tilespmem:s15+$0x810 ss:$0x81] =	vst.msk $0xffff, v2;
	s19 =	smov.u32 s17;
	s17 =	sadd.s32 $0x4, s17  }
.Ltmp3:
0x35: {  	v2 =	vld [tilespmem:s18+$0xFFFFFFF0];
	[tilespmem:s15+$0x1020 ss:$0x81] =	vst.msk $0xffff, v0;
	(pc) =	sbr.rel @p1 .LBB1_3-.Ltmp3, $4  }
0x36: {  	v0 =	vld [tilespmem:s18+$0x0];
	[tilespmem:s15+$0x0 ss:$0x81] =	vst.msk $0xffff, v1  }
0x37: {  	s15 =	sshra.s32 s19, $0x2;
	v1 =	vld [tilespmem:s18+$0xFFFFFFE0]  }
0x38: {  	s15 =	sadd.s32 s15, s16  }
0x39: {  	s18 =	sadd.s32 $0x40, s18;
	[tilespmem:s15+$0x1830 ss:$0x81] =	vst.msk $0xffff, v3  }
.Ltmp4:
0x3a: {  	_ = 	snop;
	(pc) =	sbr.rel .LBB1_4-.Ltmp4, $1  }
0x3b: {  	_ =	sdelay $0x3  }
.LBB1_6:
0x3c: {  	_ =	sfence.sel $0x180000  }
0x3d: {  	s2 =	simm.s32 $0x1;
	[bflag:$0x0] =	sbarrier.arrive $0xFFFF  }
0x3e: {  	s31 =	simm.s32 $0x2;
	[sflag:s2] =	ssyncpa.u1 $0x1  }
0x3f: {  	[sflag:s31] =	ssyncpa.u1 $0x1  }
0x40: {  	p0 =	sne.s32 s0, $0x0;
	_ =	strace $0x9000004A  }
0x41: {  	s0 =	sadd.s32 @!p0 $0x100000, s1;
	[bflag:$0x2] =	sbarrier.arrive $0xFFFF  }
0x42: {  	[sflag:s0] =	ssyncadd.tile.s32 @!p0 $0x1;
	_ =	shalt  }
.Lfunc_end1:
_tile_overlayer_lowered:
.L_overlay_start_2:
0x43: {  	(tag) =	ssettag $0x2  }
0x44: {  	s0 =	rddreg [dreg:$0x0];
	s2 =	stileid.u32  }
0x45: {  	s1 =	rddreg [dreg:$0x1];
	p0 =	sne.s32 s2, $0x0  }
0x46: {  	s3 =	rddreg [dreg:$0x2];
	[bflag:$0x3] =	sbarrier.arrive $0xFFFF;
	s2 =	simm.s32 @!p0 $0x1C01  }
0x47: {  	[timem:s3], [sflag:s2] =	dma.local @!p0 [hbm:s0], s1  }
0x48: {  	s0 =	simm.s32 @!p0 $0x1  }
0x49: {  	_ =	swait.ge @!p0 [sflag:s0], s1  }
0x4a: {  	s1 =	ssub.s32 @!p0 $0x0, s1;
	[sflag:s0] =	ssyncset.done @!p0 $0x0  }
0x4b: {  	[sflag:s0] =	ssyncadd.s32 @!p0 s1  }
0x4c: {  	[bflag:$0x3] =	sbarrier.arrive $0xFFFF  }
0x4d: {  	_ =	shalt  }

</sc_bundles>
